<compile_context>
chip_gen: v7x
topology: tpu7x:2x2x1
jax: 0.10.2.dev20260603
libtpu: 0.0.44.dev20260713+nightly
codegen_flags: <defaults>
</compile_context>

<pallas_src>
import functools

import jax
import jax.numpy as jnp
from jax import lax
from jax.experimental import pallas as pl
from jax.experimental.pallas import tpu as pltpu
from jax.experimental.pallas import tpu_sc as plsc

_OUT_F = 100000
_IN_F = 16
_BATCH = 1024

_NC = 2
_NS = 16
_NW = _NC * _NS
_SC_ROWS = 32
_BIG = 21
_RMAX = 98 * _SC_ROWS
_WINDOW = 8


def _argmax16(w_v, row0):
    lane = jnp.arange(16, dtype=jnp.int32)
    best = jnp.zeros((16,), jnp.int32)
    for k in range(16):
        v = w_v[pl.ds((row0 + k) * _IN_F, _IN_F)]
        mask = v == jnp.max(v)
        ffs = plsc.all_reduce_ffs(mask)
        best = jnp.where(lane == k, ffs, best)
    return best


def _sc_body(xT_hbm, w_hbm, out_hbm, table_v, w_v, sem):
    sid = lax.axis_index("s")
    wid = sid * _NC + lax.axis_index("c")
    n = jnp.where(wid < _BIG, 98, 97)
    base = _SC_ROWS * (wid * 97 + jnp.minimum(wid, _BIG))

    pltpu.sync_copy(xT_hbm.at[pl.ds(wid * 16, 16)], table_v)

    pltpu.sync_copy(
        w_hbm.at[pl.ds(base * _IN_F, 97 * _SC_ROWS * _IN_F)],
        w_v.at[pl.ds(0, 97 * _SC_ROWS * _IN_F)])

    @pl.when(n == 98)
    def _():
        pltpu.sync_copy(
            w_hbm.at[pl.ds((base + 97 * _SC_ROWS) * _IN_F,
                           _SC_ROWS * _IN_F)],
            w_v.at[pl.ds(97 * _SC_ROWS * _IN_F, _SC_ROWS * _IN_F)])

    def drain16(_, carry):
        pltpu.make_async_copy(table_v.at[0], out_hbm.at[base], sem).wait()
        return carry

    def group(g, carry):
        best = _argmax16(w_v, g * 16)
        for k in range(16):
            j = best[k]
            pltpu.async_copy(
                table_v.at[j], out_hbm.at[base + g * 16 + k], sem)

        @pl.when(g >= _WINDOW)
        def _():
            lax.fori_loop(0, 16, drain16, 0)

        return carry

    lax.fori_loop(0, 2 * n, group, 0)
    lax.fori_loop(0, _WINDOW * 16, drain16, 0)


_sc_call = functools.partial(
    pl.kernel,
    mesh=plsc.VectorSubcoreMesh(core_axis_name="c", subcore_axis_name="s"),
    compiler_params=pltpu.CompilerParams(needs_layout_passes=False),
    out_type=jax.ShapeDtypeStruct((_OUT_F, _BATCH), jnp.float32),
    name="btnn_selector_sc",
    scratch_types=[
        pltpu.VMEM((16, _BATCH), jnp.float32),
        pltpu.VMEM((_RMAX * _IN_F,), jnp.float32),
        pltpu.SemaphoreType.DMA,
    ],
)(_sc_body)


def kernel(x, W):
    xT = jnp.transpose(x)
    xT_rep = jnp.tile(xT, (_NW, 1))
    w_flat = W.reshape(-1)
    return _sc_call(xT_rep, w_flat)

# --- scband reference (transcript-rebuilt; emitter-appended) ---
"""Pipeline reference for scband-sparse-btnn-selector-8864812499540 (READ-ONLY COPY).

The authoritative reference and input builder live on the scoring server;
editing this copy changes nothing except your own understanding.
"""

import jax, jax.numpy as jnp
import numpy as np

OUT_FEATURES = 100000
IN_FEATURES = 16
BATCH = 1024


def setup_inputs(seed: int = 0) -> dict:
    key = jax.random.key(seed)
    k1, k2 = jax.random.split(key)
    x = jax.random.normal(k1, (BATCH, IN_FEATURES), dtype=jnp.float32)
    # nn.Linear weight [out_features, in_features], init uniform(-1, 1)
    W = jax.random.uniform(k2, (OUT_FEATURES, IN_FEATURES), minval=-1.0, maxval=1.0, dtype=jnp.float32)
    return {"x": x, "W": W}


def reference(x, W):
    # mask: one-hot of per-row argmax of the selector weight (scatter of 1.0 along dim=1)
    idx = jnp.argmax(W, axis=1)
    mask = jax.nn.one_hot(idx, W.shape[1], dtype=W.dtype)
    # straight-through: mask - W.detach() + W
    masked = mask - jax.lax.stop_gradient(W) + W
    # F.linear(masked, x) == masked @ x.T  (x plays the role of the weight)
    return masked @ x.T

if __name__ == "__main__":
    import jax
    _d = setup_inputs()
    print(jax.jit(kernel)(*tuple(_d.values())))

</pallas_src>

<mosaic_0001>
#map = affine_map<(d0, d1) -> (0, 0)>
#map1 = affine_map<(d0, d1) -> (0)>
module attributes {stable_mosaic.version = 14 : i64} {
  func.func @btnn_selector_sc(%arg0: i32, %arg1: i32, %arg2: memref<512x1024xf32, #tpu.memory_space<hbm>>, %arg3: memref<1600000xf32, #tpu.memory_space<hbm>>, %arg4: memref<100000x1024xf32, #tpu.memory_space<hbm>>, %arg5: memref<16x1024xf32, #tpu.memory_space<vmem>>, %arg6: memref<50176xf32, #tpu.memory_space<vmem>>, %arg7: memref<!tpu.dma_semaphore, #tpu.memory_space<semaphore_mem>>) attributes {dimension_semantics = [#tpu.dimension_semantics<core_parallel>, #tpu.dimension_semantics<subcore_parallel>], iteration_bounds = array<i64: 2, 16>, scalar_prefetch = 0 : i64, scratch_operands = 3 : i64, tpu.core_type = #tpu.core_type<sc_vector_subcore>, window_params = [{transform_indices = #map}, {transform_indices = #map1}, {transform_indices = #map}]} {
    %mul3A = arith.constant 2 : i32
    %mul3A_0 = arith.muli %arg1, %mul3A : i32
    %add3A = arith.addi %mul3A_0, %arg0 : i32
    %lt3A = arith.constant 21 : i32
    %lt3A_1 = arith.cmpi slt, %add3A, %lt3A : i32
    %jit3A = arith.constant 98 : i32
    %jit3A_2 = arith.constant 97 : i32
    %select_n3A = arith.select %lt3A_1, %jit3A, %jit3A_2 : i32
    %mul3A_3 = arith.constant 97 : i32
    %mul3A_4 = arith.muli %add3A, %mul3A_3 : i32
    %min3A = arith.constant 21 : i32
    %min3A_5 = arith.minsi %add3A, %min3A : i32
    %add3A_6 = arith.addi %mul3A_4, %min3A_5 : i32
    %mul3A_7 = arith.constant 32 : i32
    %mul3A_8 = arith.muli %mul3A_7, %add3A_6 : i32
    %mul3A_9 = arith.constant 16 : i32
    %mul3A_10 = arith.muli %add3A, %mul3A_9 : i32
    "tpu.region"() ({
      %run_scoped3A = tpu.sem_alloc : memref<!tpu.dma_semaphore, #tpu.memory_space<semaphore_mem>>
      %dma_start3A = arith.constant 0 : i32
      %dma_start3A_31 = tpu.memref_slice %arg2[%mul3A_10, %dma_start3A] : memref<512x1024xf32, #tpu.memory_space<hbm>> -> memref<16x1024xf32, #tpu.memory_space<hbm>>
      %dma_start3A_32 = arith.constant 0 : i32
      %dma_start3A_33 = tpu.memref_slice %arg2[%mul3A_10, %dma_start3A_32] : memref<512x1024xf32, #tpu.memory_space<hbm>> -> memref<16x1024xf32, #tpu.memory_space<hbm>>
      tpu.enqueue_dma source(%dma_start3A_33 : memref<16x1024xf32, #tpu.memory_space<hbm>>) target(%arg5 : memref<16x1024xf32, #tpu.memory_space<vmem>>) target_semaphore(%run_scoped3A : memref<!tpu.dma_semaphore, #tpu.memory_space<semaphore_mem>>)
      %dma_wait3A = arith.constant 0 : i32
      %dma_wait3A_34 = tpu.memref_slice %arg2[%mul3A_10, %dma_wait3A] : memref<512x1024xf32, #tpu.memory_space<hbm>> -> memref<16x1024xf32, #tpu.memory_space<hbm>>
      %dma_wait3A_35 = arith.constant 0 : i32
      %dma_wait3A_36 = tpu.memref_slice %arg2[%mul3A_10, %dma_wait3A_35] : memref<512x1024xf32, #tpu.memory_space<hbm>> -> memref<16x1024xf32, #tpu.memory_space<hbm>>
      tpu.wait_dma2 semaphore(%run_scoped3A : memref<!tpu.dma_semaphore, #tpu.memory_space<semaphore_mem>>) src(%dma_wait3A_36 : memref<16x1024xf32, #tpu.memory_space<hbm>>) dst(%arg5 : memref<16x1024xf32, #tpu.memory_space<vmem>>)
      tpu.yield
    }) : () -> ()
    %mul3A_11 = arith.constant 16 : i32
    %mul3A_12 = arith.muli %mul3A_8, %mul3A_11 : i32
    "tpu.region"() ({
      %run_scoped3A = tpu.sem_alloc : memref<!tpu.dma_semaphore, #tpu.memory_space<semaphore_mem>>
      %dma_start3A = arith.constant 0 : i32
      %dma_start3A_31 = tpu.memref_slice %arg6[%dma_start3A] : memref<50176xf32, #tpu.memory_space<vmem>> -> memref<49664xf32, #tpu.memory_space<vmem>>
      %dma_start3A_32 = tpu.memref_slice %arg3[%mul3A_12] : memref<1600000xf32, #tpu.memory_space<hbm>> -> memref<49664xf32, #tpu.memory_space<hbm>>
      %dma_start3A_33 = arith.constant 0 : i32
      %dma_start3A_34 = tpu.memref_slice %arg6[%dma_start3A_33] : memref<50176xf32, #tpu.memory_space<vmem>> -> memref<49664xf32, #tpu.memory_space<vmem>>
      %dma_start3A_35 = tpu.memref_slice %arg3[%mul3A_12] : memref<1600000xf32, #tpu.memory_space<hbm>> -> memref<49664xf32, #tpu.memory_space<hbm>>
      tpu.enqueue_dma source(%dma_start3A_35 : memref<49664xf32, #tpu.memory_space<hbm>>) target(%dma_start3A_34 : memref<49664xf32, #tpu.memory_space<vmem>>) target_semaphore(%run_scoped3A : memref<!tpu.dma_semaphore, #tpu.memory_space<semaphore_mem>>)
      %dma_wait3A = arith.constant 0 : i32
      %dma_wait3A_36 = tpu.memref_slice %arg6[%dma_wait3A] : memref<50176xf32, #tpu.memory_space<vmem>> -> memref<49664xf32, #tpu.memory_space<vmem>>
      %dma_wait3A_37 = tpu.memref_slice %arg3[%mul3A_12] : memref<1600000xf32, #tpu.memory_space<hbm>> -> memref<49664xf32, #tpu.memory_space<hbm>>
      %dma_wait3A_38 = arith.constant 0 : i32
      %dma_wait3A_39 = tpu.memref_slice %arg6[%dma_wait3A_38] : memref<50176xf32, #tpu.memory_space<vmem>> -> memref<49664xf32, #tpu.memory_space<vmem>>
      %dma_wait3A_40 = tpu.memref_slice %arg3[%mul3A_12] : memref<1600000xf32, #tpu.memory_space<hbm>> -> memref<49664xf32, #tpu.memory_space<hbm>>
      tpu.wait_dma2 semaphore(%run_scoped3A : memref<!tpu.dma_semaphore, #tpu.memory_space<semaphore_mem>>) src(%dma_wait3A_40 : memref<49664xf32, #tpu.memory_space<hbm>>) dst(%dma_wait3A_39 : memref<49664xf32, #tpu.memory_space<vmem>>)
      tpu.yield
    }) : () -> ()
    %eq3A = arith.constant 98 : i32
    %eq3A_13 = arith.cmpi eq, %select_n3A, %eq3A : i32
    %convert_element_type3A = arith.extui %eq3A_13 : i1 to i32
    %cond3A = arith.constant 0 : i32
    %cond3A_14 = arith.cmpi ne, %convert_element_type3A, %cond3A : i32
    scf.if %cond3A_14 {
      %add3A_31 = arith.constant 3104 : i32
      %add3A_32 = arith.addi %mul3A_8, %add3A_31 : i32
      %mul3A_33 = arith.constant 16 : i32
      %mul3A_34 = arith.muli %add3A_32, %mul3A_33 : i32
      "tpu.region"() ({
        %run_scoped3A = tpu.sem_alloc : memref<!tpu.dma_semaphore, #tpu.memory_space<semaphore_mem>>
        %dma_start3A = arith.constant 49664 : i32
        %dma_start3A_35 = tpu.memref_slice %arg6[%dma_start3A] : memref<50176xf32, #tpu.memory_space<vmem>> -> memref<512xf32, #tpu.memory_space<vmem>>
        %dma_start3A_36 = tpu.memref_slice %arg3[%mul3A_34] : memref<1600000xf32, #tpu.memory_space<hbm>> -> memref<512xf32, #tpu.memory_space<hbm>>
        %dma_start3A_37 = arith.constant 49664 : i32
        %dma_start3A_38 = tpu.memref_slice %arg6[%dma_start3A_37] : memref<50176xf32, #tpu.memory_space<vmem>> -> memref<512xf32, #tpu.memory_space<vmem>>
        %dma_start3A_39 = tpu.memref_slice %arg3[%mul3A_34] : memref<1600000xf32, #tpu.memory_space<hbm>> -> memref<512xf32, #tpu.memory_space<hbm>>
        tpu.enqueue_dma source(%dma_start3A_39 : memref<512xf32, #tpu.memory_space<hbm>>) target(%dma_start3A_38 : memref<512xf32, #tpu.memory_space<vmem>>) target_semaphore(%run_scoped3A : memref<!tpu.dma_semaphore, #tpu.memory_space<semaphore_mem>>)
        %dma_wait3A = arith.constant 49664 : i32
        %dma_wait3A_40 = tpu.memref_slice %arg6[%dma_wait3A] : memref<50176xf32, #tpu.memory_space<vmem>> -> memref<512xf32, #tpu.memory_space<vmem>>
        %dma_wait3A_41 = tpu.memref_slice %arg3[%mul3A_34] : memref<1600000xf32, #tpu.memory_space<hbm>> -> memref<512xf32, #tpu.memory_space<hbm>>
        %dma_wait3A_42 = arith.constant 49664 : i32
        %dma_wait3A_43 = tpu.memref_slice %arg6[%dma_wait3A_42] : memref<50176xf32, #tpu.memory_space<vmem>> -> memref<512xf32, #tpu.memory_space<vmem>>
        %dma_wait3A_44 = tpu.memref_slice %arg3[%mul3A_34] : memref<1600000xf32, #tpu.memory_space<hbm>> -> memref<512xf32, #tpu.memory_space<hbm>>
        tpu.wait_dma2 semaphore(%run_scoped3A : memref<!tpu.dma_semaphore, #tpu.memory_space<semaphore_mem>>) src(%dma_wait3A_44 : memref<512xf32, #tpu.memory_space<hbm>>) dst(%dma_wait3A_43 : memref<512xf32, #tpu.memory_space<vmem>>)
        tpu.yield
      }) : () -> ()
    } else {
    }
    %mul3A_15 = arith.constant 2 : i32
    %mul3A_16 = arith.muli %mul3A_15, %select_n3A : i32
    %while3A = arith.constant 0 : i32
    %while3A_17 = arith.constant 0 : i32
    %while3A_18 = arith.subi %mul3A_16, %while3A_17 : i32
    %while3A_19 = arith.addi %while3A_17, %while3A_18 : i32
    %while3A_20 = arith.constant 1 : i32
    %while3A_21 = arith.divsi %while3A_18, %while3A_20 : i32
    %while3A_22 = arith.muli %while3A_21, %while3A_20 : i32
    %while3A_23 = arith.addi %while3A_17, %while3A_22 : i32
    %while3A_24 = arith.constant 1 : i32
    scf.for %while3A_31 = %while3A_17 to %while3A_23 step %while3A_24  : i32 {
      %mul3A_32 = arith.constant 16 : i32
      %mul3A_33 = arith.muli %while3A_31, %mul3A_32 : i32
      %iota3A = tpu.iota {dimensions = array<i32: 0>} : vector<16xi32>
      %broadcast_in_dim3A = arith.constant 0 : i32
      %broadcast_in_dim3A_34 = vector.broadcast %broadcast_in_dim3A : i32 to vector<16xi32>
      %add3A_35 = arith.constant 0 : i32
      %add3A_36 = arith.addi %mul3A_33, %add3A_35 : i32
      %mul3A_37 = arith.constant 16 : i32
      %mul3A_38 = arith.muli %add3A_36, %mul3A_37 : i32
      %get3A = arith.index_cast %mul3A_38 : i32 to index
      %get3A_39 = tpu.vector_load %arg6[%get3A] {strides = array<i32>} : memref<50176xf32, #tpu.memory_space<vmem>>, vector<16xf32>,
      %reduce_max3A = arith.constant true
      %reduce_max3A_40 = vector.broadcast %reduce_max3A : i1 to vector<16xi1>
      %reduce_max3A_41 = tpu.scan <max>, %get3A_39 masked %reduce_max3A_40 : vector<16xf32>, vector<16xi1> -> vector<16xf32>
      %reduce_max3A_42 = vector.extract %reduce_max3A_41[15] : f32 from vector<16xf32>
      %eq3A_43 = vector.broadcast %reduce_max3A_42 : f32 to vector<16xf32>
      %eq3A_44 = arith.cmpf oeq, %get3A_39, %eq3A_43 : vector<16xf32>
      %all_reduce_ffs3A = tpu.all_reduce %eq3A_44 {dim = 0 : i64, kind = #tpu.reduction_kind<find_first_set>} : vector<16xi1> -> vector<16xi32>
      %eq3A_45 = arith.constant 0 : i32
      %eq3A_46 = vector.broadcast %eq3A_45 : i32 to vector<16xi32>
      %eq3A_47 = arith.cmpi eq, %iota3A, %eq3A_46 : vector<16xi32>
      %select_n3A_48 = arith.select %eq3A_47, %all_reduce_ffs3A, %broadcast_in_dim3A_34 : vector<16xi1>, vector<16xi32>
      %add3A_49 = arith.constant 1 : i32
      %add3A_50 = arith.addi %mul3A_33, %add3A_49 : i32
      %mul3A_51 = arith.constant 16 : i32
      %mul3A_52 = arith.muli %add3A_50, %mul3A_51 : i32
      %get3A_53 = arith.index_cast %mul3A_52 : i32 to index
      %get3A_54 = tpu.vector_load %arg6[%get3A_53] {strides = array<i32>} : memref<50176xf32, #tpu.memory_space<vmem>>, vector<16xf32>,
      %reduce_max3A_55 = arith.constant true
      %reduce_max3A_56 = vector.broadcast %reduce_max3A_55 : i1 to vector<16xi1>
      %reduce_max3A_57 = tpu.scan <max>, %get3A_54 masked %reduce_max3A_56 : vector<16xf32>, vector<16xi1> -> vector<16xf32>
      %reduce_max3A_58 = vector.extract %reduce_max3A_57[15] : f32 from vector<16xf32>
      %eq3A_59 = vector.broadcast %reduce_max3A_58 : f32 to vector<16xf32>
      %eq3A_60 = arith.cmpf oeq, %get3A_54, %eq3A_59 : vector<16xf32>
      %all_reduce_ffs3A_61 = tpu.all_reduce %eq3A_60 {dim = 0 : i64, kind = #tpu.reduction_kind<find_first_set>} : vector<16xi1> -> vector<16xi32>
      %eq3A_62 = arith.constant 1 : i32
      %eq3A_63 = vector.broadcast %eq3A_62 : i32 to vector<16xi32>
      %eq3A_64 = arith.cmpi eq, %iota3A, %eq3A_63 : vector<16xi32>
      %select_n3A_65 = arith.select %eq3A_64, %all_reduce_ffs3A_61, %select_n3A_48 : vector<16xi1>, vector<16xi32>
      %add3A_66 = arith.constant 2 : i32
      %add3A_67 = arith.addi %mul3A_33, %add3A_66 : i32
      %mul3A_68 = arith.constant 16 : i32
      %mul3A_69 = arith.muli %add3A_67, %mul3A_68 : i32
      %get3A_70 = arith.index_cast %mul3A_69 : i32 to index
      %get3A_71 = tpu.vector_load %arg6[%get3A_70] {strides = array<i32>} : memref<50176xf32, #tpu.memory_space<vmem>>, vector<16xf32>,
      %reduce_max3A_72 = arith.constant true
      %reduce_max3A_73 = vector.broadcast %reduce_max3A_72 : i1 to vector<16xi1>
      %reduce_max3A_74 = tpu.scan <max>, %get3A_71 masked %reduce_max3A_73 : vector<16xf32>, vector<16xi1> -> vector<16xf32>
      %reduce_max3A_75 = vector.extract %reduce_max3A_74[15] : f32 from vector<16xf32>
      %eq3A_76 = vector.broadcast %reduce_max3A_75 : f32 to vector<16xf32>
      %eq3A_77 = arith.cmpf oeq, %get3A_71, %eq3A_76 : vector<16xf32>
      %all_reduce_ffs3A_78 = tpu.all_reduce %eq3A_77 {dim = 0 : i64, kind = #tpu.reduction_kind<find_first_set>} : vector<16xi1> -> vector<16xi32>
      %eq3A_79 = arith.constant 2 : i32
      %eq3A_80 = vector.broadcast %eq3A_79 : i32 to vector<16xi32>
      %eq3A_81 = arith.cmpi eq, %iota3A, %eq3A_80 : vector<16xi32>
      %select_n3A_82 = arith.select %eq3A_81, %all_reduce_ffs3A_78, %select_n3A_65 : vector<16xi1>, vector<16xi32>
      %add3A_83 = arith.constant 3 : i32
      %add3A_84 = arith.addi %mul3A_33, %add3A_83 : i32
      %mul3A_85 = arith.constant 16 : i32
      %mul3A_86 = arith.muli %add3A_84, %mul3A_85 : i32
      %get3A_87 = arith.index_cast %mul3A_86 : i32 to index
      %get3A_88 = tpu.vector_load %arg6[%get3A_87] {strides = array<i32>} : memref<50176xf32, #tpu.memory_space<vmem>>, vector<16xf32>,
      %reduce_max3A_89 = arith.constant true
      %reduce_max3A_90 = vector.broadcast %reduce_max3A_89 : i1 to vector<16xi1>
      %reduce_max3A_91 = tpu.scan <max>, %get3A_88 masked %reduce_max3A_90 : vector<16xf32>, vector<16xi1> -> vector<16xf32>
      %reduce_max3A_92 = vector.extract %reduce_max3A_91[15] : f32 from vector<16xf32>
      %eq3A_93 = vector.broadcast %reduce_max3A_92 : f32 to vector<16xf32>
      %eq3A_94 = arith.cmpf oeq, %get3A_88, %eq3A_93 : vector<16xf32>
      %all_reduce_ffs3A_95 = tpu.all_reduce %eq3A_94 {dim = 0 : i64, kind = #tpu.reduction_kind<find_first_set>} : vector<16xi1> -> vector<16xi32>
      %eq3A_96 = arith.constant 3 : i32
      %eq3A_97 = vector.broadcast %eq3A_96 : i32 to vector<16xi32>
      %eq3A_98 = arith.cmpi eq, %iota3A, %eq3A_97 : vector<16xi32>
      %select_n3A_99 = arith.select %eq3A_98, %all_reduce_ffs3A_95, %select_n3A_82 : vector<16xi1>, vector<16xi32>
      %add3A_100 = arith.constant 4 : i32
      %add3A_101 = arith.addi %mul3A_33, %add3A_100 : i32
      %mul3A_102 = arith.constant 16 : i32
      %mul3A_103 = arith.muli %add3A_101, %mul3A_102 : i32
      %get3A_104 = arith.index_cast %mul3A_103 : i32 to index
      %get3A_105 = tpu.vector_load %arg6[%get3A_104] {strides = array<i32>} : memref<50176xf32, #tpu.memory_space<vmem>>, vector<16xf32>,
      %reduce_max3A_106 = arith.constant true
      %reduce_max3A_107 = vector.broadcast %reduce_max3A_106 : i1 to vector<16xi1>
      %reduce_max3A_108 = tpu.scan <max>, %get3A_105 masked %reduce_max3A_107 : vector<16xf32>, vector<16xi1> -> vector<16xf32>
      %reduce_max3A_109 = vector.extract %reduce_max3A_108[15] : f32 from vector<16xf32>
      %eq3A_110 = vector.broadcast %reduce_max3A_109 : f32 to vector<16xf32>
      %eq3A_111 = arith.cmpf oeq, %get3A_105, %eq3A_110 : vector<16xf32>
      %all_reduce_ffs3A_112 = tpu.all_reduce %eq3A_111 {dim = 0 : i64, kind = #tpu.reduction_kind<find_first_set>} : vector<16xi1> -> vector<16xi32>
      %eq3A_113 = arith.constant 4 : i32
      %eq3A_114 = vector.broadcast %eq3A_113 : i32 to vector<16xi32>
      %eq3A_115 = arith.cmpi eq, %iota3A, %eq3A_114 : vector<16xi32>
      %select_n3A_116 = arith.select %eq3A_115, %all_reduce_ffs3A_112, %select_n3A_99 : vector<16xi1>, vector<16xi32>
      %add3A_117 = arith.constant 5 : i32
      %add3A_118 = arith.addi %mul3A_33, %add3A_117 : i32
      %mul3A_119 = arith.constant 16 : i32
      %mul3A_120 = arith.muli %add3A_118, %mul3A_119 : i32
      %get3A_121 = arith.index_cast %mul3A_120 : i32 to index
      %get3A_122 = tpu.vector_load %arg6[%get3A_121] {strides = array<i32>} : memref<50176xf32, #tpu.memory_space<vmem>>, vector<16xf32>,
      %reduce_max3A_123 = arith.constant true
      %reduce_max3A_124 = vector.broadcast %reduce_max3A_123 : i1 to vector<16xi1>
      %reduce_max3A_125 = tpu.scan <max>, %get3A_122 masked %reduce_max3A_124 : vector<16xf32>, vector<16xi1> -> vector<16xf32>
      %reduce_max3A_126 = vector.extract %reduce_max3A_125[15] : f32 from vector<16xf32>
      %eq3A_127 = vector.broadcast %reduce_max3A_126 : f32 to vector<16xf32>
      %eq3A_128 = arith.cmpf oeq, %get3A_122, %eq3A_127 : vector<16xf32>
      %all_reduce_ffs3A_129 = tpu.all_reduce %eq3A_128 {dim = 0 : i64, kind = #tpu.reduction_kind<find_first_set>} : vector<16xi1> -> vector<16xi32>
      %eq3A_130 = arith.constant 5 : i32
      %eq3A_131 = vector.broadcast %eq3A_130 : i32 to vector<16xi32>
      %eq3A_132 = arith.cmpi eq, %iota3A, %eq3A_131 : vector<16xi32>
      %select_n3A_133 = arith.select %eq3A_132, %all_reduce_ffs3A_129, %select_n3A_116 : vector<16xi1>, vector<16xi32>
      %add3A_134 = arith.constant 6 : i32
      %add3A_135 = arith.addi %mul3A_33, %add3A_134 : i32
      %mul3A_136 = arith.constant 16 : i32
      %mul3A_137 = arith.muli %add3A_135, %mul3A_136 : i32
      %get3A_138 = arith.index_cast %mul3A_137 : i32 to index
      %get3A_139 = tpu.vector_load %arg6[%get3A_138] {strides = array<i32>} : memref<50176xf32, #tpu.memory_space<vmem>>, vector<16xf32>,
      %reduce_max3A_140 = arith.constant true
      %reduce_max3A_141 = vector.broadcast %reduce_max3A_140 : i1 to vector<16xi1>
      %reduce_max3A_142 = tpu.scan <max>, %get3A_139 masked %reduce_max3A_141 : vector<16xf32>, vector<16xi1> -> vector<16xf32>
      %reduce_max3A_143 = vector.extract %reduce_max3A_142[15] : f32 from vector<16xf32>
      %eq3A_144 = vector.broadcast %reduce_max3A_143 : f32 to vector<16xf32>
      %eq3A_145 = arith.cmpf oeq, %get3A_139, %eq3A_144 : vector<16xf32>
      %all_reduce_ffs3A_146 = tpu.all_reduce %eq3A_145 {dim = 0 : i64, kind = #tpu.reduction_kind<find_first_set>} : vector<16xi1> -> vector<16xi32>
      %eq3A_147 = arith.constant 6 : i32
      %eq3A_148 = vector.broadcast %eq3A_147 : i32 to vector<16xi32>
      %eq3A_149 = arith.cmpi eq, %iota3A, %eq3A_148 : vector<16xi32>
      %select_n3A_150 = arith.select %eq3A_149, %all_reduce_ffs3A_146, %select_n3A_133 : vector<16xi1>, vector<16xi32>
      %add3A_151 = arith.constant 7 : i32
      %add3A_152 = arith.addi %mul3A_33, %add3A_151 : i32
      %mul3A_153 = arith.constant 16 : i32
      %mul3A_154 = arith.muli %add3A_152, %mul3A_153 : i32
      %get3A_155 = arith.index_cast %mul3A_154 : i32 to index
      %get3A_156 = tpu.vector_load %arg6[%get3A_155] {strides = array<i32>} : memref<50176xf32, #tpu.memory_space<vmem>>, vector<16xf32>,
      %reduce_max3A_157 = arith.constant true
      %reduce_max3A_158 = vector.broadcast %reduce_max3A_157 : i1 to vector<16xi1>
      %reduce_max3A_159 = tpu.scan <max>, %get3A_156 masked %reduce_max3A_158 : vector<16xf32>, vector<16xi1> -> vector<16xf32>
      %reduce_max3A_160 = vector.extract %reduce_max3A_159[15] : f32 from vector<16xf32>
      %eq3A_161 = vector.broadcast %reduce_max3A_160 : f32 to vector<16xf32>
      %eq3A_162 = arith.cmpf oeq, %get3A_156, %eq3A_161 : vector<16xf32>
      %all_reduce_ffs3A_163 = tpu.all_reduce %eq3A_162 {dim = 0 : i64, kind = #tpu.reduction_kind<find_first_set>} : vector<16xi1> -> vector<16xi32>
      %eq3A_164 = arith.constant 7 : i32
      %eq3A_165 = vector.broadcast %eq3A_164 : i32 to vector<16xi32>
      %eq3A_166 = arith.cmpi eq, %iota3A, %eq3A_165 : vector<16xi32>
      %select_n3A_167 = arith.select %eq3A_166, %all_reduce_ffs3A_163, %select_n3A_150 : vector<16xi1>, vector<16xi32>
      %add3A_168 = arith.constant 8 : i32
      %add3A_169 = arith.addi %mul3A_33, %add3A_168 : i32
      %mul3A_170 = arith.constant 16 : i32
      %mul3A_171 = arith.muli %add3A_169, %mul3A_170 : i32
      %get3A_172 = arith.index_cast %mul3A_171 : i32 to index
      %get3A_173 = tpu.vector_load %arg6[%get3A_172] {strides = array<i32>} : memref<50176xf32, #tpu.memory_space<vmem>>, vector<16xf32>,
      %reduce_max3A_174 = arith.constant true
      %reduce_max3A_175 = vector.broadcast %reduce_max3A_174 : i1 to vector<16xi1>
      %reduce_max3A_176 = tpu.scan <max>, %get3A_173 masked %reduce_max3A_175 : vector<16xf32>, vector<16xi1> -> vector<16xf32>
      %reduce_max3A_177 = vector.extract %reduce_max3A_176[15] : f32 from vector<16xf32>
      %eq3A_178 = vector.broadcast %reduce_max3A_177 : f32 to vector<16xf32>
      %eq3A_179 = arith.cmpf oeq, %get3A_173, %eq3A_178 : vector<16xf32>
      %all_reduce_ffs3A_180 = tpu.all_reduce %eq3A_179 {dim = 0 : i64, kind = #tpu.reduction_kind<find_first_set>} : vector<16xi1> -> vector<16xi32>
      %eq3A_181 = arith.constant 8 : i32
      %eq3A_182 = vector.broadcast %eq3A_181 : i32 to vector<16xi32>
      %eq3A_183 = arith.cmpi eq, %iota3A, %eq3A_182 : vector<16xi32>
      %select_n3A_184 = arith.select %eq3A_183, %all_reduce_ffs3A_180, %select_n3A_167 : vector<16xi1>, vector<16xi32>
      %add3A_185 = arith.constant 9 : i32
      %add3A_186 = arith.addi %mul3A_33, %add3A_185 : i32
      %mul3A_187 = arith.constant 16 : i32
      %mul3A_188 = arith.muli %add3A_186, %mul3A_187 : i32
      %get3A_189 = arith.index_cast %mul3A_188 : i32 to index
      %get3A_190 = tpu.vector_load %arg6[%get3A_189] {strides = array<i32>} : memref<50176xf32, #tpu.memory_space<vmem>>, vector<16xf32>,
      %reduce_max3A_191 = arith.constant true
      %reduce_max3A_192 = vector.broadcast %reduce_max3A_191 : i1 to vector<16xi1>
      %reduce_max3A_193 = tpu.scan <max>, %get3A_190 masked %reduce_max3A_192 : vector<16xf32>, vector<16xi1> -> vector<16xf32>
      %reduce_max3A_194 = vector.extract %reduce_max3A_193[15] : f32 from vector<16xf32>
      %eq3A_195 = vector.broadcast %reduce_max3A_194 : f32 to vector<16xf32>
      %eq3A_196 = arith.cmpf oeq, %get3A_190, %eq3A_195 : vector<16xf32>
      %all_reduce_ffs3A_197 = tpu.all_reduce %eq3A_196 {dim = 0 : i64, kind = #tpu.reduction_kind<find_first_set>} : vector<16xi1> -> vector<16xi32>
      %eq3A_198 = arith.constant 9 : i32
      %eq3A_199 = vector.broadcast %eq3A_198 : i32 to vector<16xi32>
      %eq3A_200 = arith.cmpi eq, %iota3A, %eq3A_199 : vector<16xi32>
      %select_n3A_201 = arith.select %eq3A_200, %all_reduce_ffs3A_197, %select_n3A_184 : vector<16xi1>, vector<16xi32>
      %add3A_202 = arith.constant 10 : i32
      %add3A_203 = arith.addi %mul3A_33, %add3A_202 : i32
      %mul3A_204 = arith.constant 16 : i32
      %mul3A_205 = arith.muli %add3A_203, %mul3A_204 : i32
      %get3A_206 = arith.index_cast %mul3A_205 : i32 to index
      %get3A_207 = tpu.vector_load %arg6[%get3A_206] {strides = array<i32>} : memref<50176xf32, #tpu.memory_space<vmem>>, vector<16xf32>,
      %reduce_max3A_208 = arith.constant true
      %reduce_max3A_209 = vector.broadcast %reduce_max3A_208 : i1 to vector<16xi1>
      %reduce_max3A_210 = tpu.scan <max>, %get3A_207 masked %reduce_max3A_209 : vector<16xf32>, vector<16xi1> -> vector<16xf32>
      %reduce_max3A_211 = vector.extract %reduce_max3A_210[15] : f32 from vector<16xf32>
      %eq3A_212 = vector.broadcast %reduce_max3A_211 : f32 to vector<16xf32>
      %eq3A_213 = arith.cmpf oeq, %get3A_207, %eq3A_212 : vector<16xf32>
      %all_reduce_ffs3A_214 = tpu.all_reduce %eq3A_213 {dim = 0 : i64, kind = #tpu.reduction_kind<find_first_set>} : vector<16xi1> -> vector<16xi32>
      %eq3A_215 = arith.constant 10 : i32
      %eq3A_216 = vector.broadcast %eq3A_215 : i32 to vector<16xi32>
      %eq3A_217 = arith.cmpi eq, %iota3A, %eq3A_216 : vector<16xi32>
      %select_n3A_218 = arith.select %eq3A_217, %all_reduce_ffs3A_214, %select_n3A_201 : vector<16xi1>, vector<16xi32>
      %add3A_219 = arith.constant 11 : i32
      %add3A_220 = arith.addi %mul3A_33, %add3A_219 : i32
      %mul3A_221 = arith.constant 16 : i32
      %mul3A_222 = arith.muli %add3A_220, %mul3A_221 : i32
      %get3A_223 = arith.index_cast %mul3A_222 : i32 to index
      %get3A_224 = tpu.vector_load %arg6[%get3A_223] {strides = array<i32>} : memref<50176xf32, #tpu.memory_space<vmem>>, vector<16xf32>,
      %reduce_max3A_225 = arith.constant true
      %reduce_max3A_226 = vector.broadcast %reduce_max3A_225 : i1 to vector<16xi1>
      %reduce_max3A_227 = tpu.scan <max>, %get3A_224 masked %reduce_max3A_226 : vector<16xf32>, vector<16xi1> -> vector<16xf32>
      %reduce_max3A_228 = vector.extract %reduce_max3A_227[15] : f32 from vector<16xf32>
      %eq3A_229 = vector.broadcast %reduce_max3A_228 : f32 to vector<16xf32>
      %eq3A_230 = arith.cmpf oeq, %get3A_224, %eq3A_229 : vector<16xf32>
      %all_reduce_ffs3A_231 = tpu.all_reduce %eq3A_230 {dim = 0 : i64, kind = #tpu.reduction_kind<find_first_set>} : vector<16xi1> -> vector<16xi32>
      %eq3A_232 = arith.constant 11 : i32
      %eq3A_233 = vector.broadcast %eq3A_232 : i32 to vector<16xi32>
      %eq3A_234 = arith.cmpi eq, %iota3A, %eq3A_233 : vector<16xi32>
      %select_n3A_235 = arith.select %eq3A_234, %all_reduce_ffs3A_231, %select_n3A_218 : vector<16xi1>, vector<16xi32>
      %add3A_236 = arith.constant 12 : i32
      %add3A_237 = arith.addi %mul3A_33, %add3A_236 : i32
      %mul3A_238 = arith.constant 16 : i32
      %mul3A_239 = arith.muli %add3A_237, %mul3A_238 : i32
      %get3A_240 = arith.index_cast %mul3A_239 : i32 to index
      %get3A_241 = tpu.vector_load %arg6[%get3A_240] {strides = array<i32>} : memref<50176xf32, #tpu.memory_space<vmem>>, vector<16xf32>,
      %reduce_max3A_242 = arith.constant true
      %reduce_max3A_243 = vector.broadcast %reduce_max3A_242 : i1 to vector<16xi1>
      %reduce_max3A_244 = tpu.scan <max>, %get3A_241 masked %reduce_max3A_243 : vector<16xf32>, vector<16xi1> -> vector<16xf32>
      %reduce_max3A_245 = vector.extract %reduce_max3A_244[15] : f32 from vector<16xf32>
      %eq3A_246 = vector.broadcast %reduce_max3A_245 : f32 to vector<16xf32>
      %eq3A_247 = arith.cmpf oeq, %get3A_241, %eq3A_246 : vector<16xf32>
      %all_reduce_ffs3A_248 = tpu.all_reduce %eq3A_247 {dim = 0 : i64, kind = #tpu.reduction_kind<find_first_set>} : vector<16xi1> -> vector<16xi32>
      %eq3A_249 = arith.constant 12 : i32
      %eq3A_250 = vector.broadcast %eq3A_249 : i32 to vector<16xi32>
      %eq3A_251 = arith.cmpi eq, %iota3A, %eq3A_250 : vector<16xi32>
      %select_n3A_252 = arith.select %eq3A_251, %all_reduce_ffs3A_248, %select_n3A_235 : vector<16xi1>, vector<16xi32>
      %add3A_253 = arith.constant 13 : i32
      %add3A_254 = arith.addi %mul3A_33, %add3A_253 : i32
      %mul3A_255 = arith.constant 16 : i32
      %mul3A_256 = arith.muli %add3A_254, %mul3A_255 : i32
      %get3A_257 = arith.index_cast %mul3A_256 : i32 to index
      %get3A_258 = tpu.vector_load %arg6[%get3A_257] {strides = array<i32>} : memref<50176xf32, #tpu.memory_space<vmem>>, vector<16xf32>,
      %reduce_max3A_259 = arith.constant true
      %reduce_max3A_260 = vector.broadcast %reduce_max3A_259 : i1 to vector<16xi1>
      %reduce_max3A_261 = tpu.scan <max>, %get3A_258 masked %reduce_max3A_260 : vector<16xf32>, vector<16xi1> -> vector<16xf32>
      %reduce_max3A_262 = vector.extract %reduce_max3A_261[15] : f32 from vector<16xf32>
      %eq3A_263 = vector.broadcast %reduce_max3A_262 : f32 to vector<16xf32>
      %eq3A_264 = arith.cmpf oeq, %get3A_258, %eq3A_263 : vector<16xf32>
      %all_reduce_ffs3A_265 = tpu.all_reduce %eq3A_264 {dim = 0 : i64, kind = #tpu.reduction_kind<find_first_set>} : vector<16xi1> -> vector<16xi32>
      %eq3A_266 = arith.constant 13 : i32
      %eq3A_267 = vector.broadcast %eq3A_266 : i32 to vector<16xi32>
      %eq3A_268 = arith.cmpi eq, %iota3A, %eq3A_267 : vector<16xi32>
      %select_n3A_269 = arith.select %eq3A_268, %all_reduce_ffs3A_265, %select_n3A_252 : vector<16xi1>, vector<16xi32>
      %add3A_270 = arith.constant 14 : i32
      %add3A_271 = arith.addi %mul3A_33, %add3A_270 : i32
      %mul3A_272 = arith.constant 16 : i32
      %mul3A_273 = arith.muli %add3A_271, %mul3A_272 : i32
      %get3A_274 = arith.index_cast %mul3A_273 : i32 to index
      %get3A_275 = tpu.vector_load %arg6[%get3A_274] {strides = array<i32>} : memref<50176xf32, #tpu.memory_space<vmem>>, vector<16xf32>,
      %reduce_max3A_276 = arith.constant true
      %reduce_max3A_277 = vector.broadcast %reduce_max3A_276 : i1 to vector<16xi1>
      %reduce_max3A_278 = tpu.scan <max>, %get3A_275 masked %reduce_max3A_277 : vector<16xf32>, vector<16xi1> -> vector<16xf32>
      %reduce_max3A_279 = vector.extract %reduce_max3A_278[15] : f32 from vector<16xf32>
      %eq3A_280 = vector.broadcast %reduce_max3A_279 : f32 to vector<16xf32>
      %eq3A_281 = arith.cmpf oeq, %get3A_275, %eq3A_280 : vector<16xf32>
      %all_reduce_ffs3A_282 = tpu.all_reduce %eq3A_281 {dim = 0 : i64, kind = #tpu.reduction_kind<find_first_set>} : vector<16xi1> -> vector<16xi32>
      %eq3A_283 = arith.constant 14 : i32
      %eq3A_284 = vector.broadcast %eq3A_283 : i32 to vector<16xi32>
      %eq3A_285 = arith.cmpi eq, %iota3A, %eq3A_284 : vector<16xi32>
      %select_n3A_286 = arith.select %eq3A_285, %all_reduce_ffs3A_282, %select_n3A_269 : vector<16xi1>, vector<16xi32>
      %add3A_287 = arith.constant 15 : i32
      %add3A_288 = arith.addi %mul3A_33, %add3A_287 : i32
      %mul3A_289 = arith.constant 16 : i32
      %mul3A_290 = arith.muli %add3A_288, %mul3A_289 : i32
      %get3A_291 = arith.index_cast %mul3A_290 : i32 to index
      %get3A_292 = tpu.vector_load %arg6[%get3A_291] {strides = array<i32>} : memref<50176xf32, #tpu.memory_space<vmem>>, vector<16xf32>,
      %reduce_max3A_293 = arith.constant true
      %reduce_max3A_294 = vector.broadcast %reduce_max3A_293 : i1 to vector<16xi1>
      %reduce_max3A_295 = tpu.scan <max>, %get3A_292 masked %reduce_max3A_294 : vector<16xf32>, vector<16xi1> -> vector<16xf32>
      %reduce_max3A_296 = vector.extract %reduce_max3A_295[15] : f32 from vector<16xf32>
      %eq3A_297 = vector.broadcast %reduce_max3A_296 : f32 to vector<16xf32>
      %eq3A_298 = arith.cmpf oeq, %get3A_292, %eq3A_297 : vector<16xf32>
      %all_reduce_ffs3A_299 = tpu.all_reduce %eq3A_298 {dim = 0 : i64, kind = #tpu.reduction_kind<find_first_set>} : vector<16xi1> -> vector<16xi32>
      %eq3A_300 = arith.constant 15 : i32
      %eq3A_301 = vector.broadcast %eq3A_300 : i32 to vector<16xi32>
      %eq3A_302 = arith.cmpi eq, %iota3A, %eq3A_301 : vector<16xi32>
      %select_n3A_303 = arith.select %eq3A_302, %all_reduce_ffs3A_299, %select_n3A_286 : vector<16xi1>, vector<16xi32>
      %slice3A = vector.extract_strided_slice %select_n3A_303 {offsets = [0], sizes = [1], strides = [1]} : vector<16xi32> to vector<1xi32>
      %squeeze3A = vector.extract %slice3A[0] : i32 from vector<1xi32>
      %mul3A_304 = arith.constant 16 : i32
      %mul3A_305 = arith.muli %while3A_31, %mul3A_304 : i32
      %add3A_306 = arith.addi %mul3A_8, %mul3A_305 : i32
      %add3A_307 = arith.constant 0 : i32
      %add3A_308 = arith.addi %add3A_306, %add3A_307 : i32
      %dma_start3A = arith.constant 0 : i32
      %dma_start3A_309 = tpu.memref_slice %arg5[%squeeze3A, %dma_start3A] : memref<16x1024xf32, #tpu.memory_space<vmem>> -> memref<1x1024xf32, #tpu.memory_space<vmem>>
      %dma_start3A_310 = tpu.memref_squeeze %dma_start3A_309 : memref<1x1024xf32, #tpu.memory_space<vmem>> -> memref<1024xf32, #tpu.memory_space<vmem>>
      %dma_start3A_311 = arith.constant 0 : i32
      %dma_start3A_312 = tpu.memref_slice %arg4[%add3A_308, %dma_start3A_311] : memref<100000x1024xf32, #tpu.memory_space<hbm>> -> memref<1x1024xf32, #tpu.memory_space<hbm>>
      %dma_start3A_313 = tpu.memref_squeeze %dma_start3A_312 : memref<1x1024xf32, #tpu.memory_space<hbm>> -> memref<1024xf32, #tpu.memory_space<hbm>>
      %dma_start3A_314 = arith.constant 0 : i32
      %dma_start3A_315 = tpu.memref_slice %arg4[%add3A_308, %dma_start3A_314] : memref<100000x1024xf32, #tpu.memory_space<hbm>> -> memref<1x1024xf32, #tpu.memory_space<hbm>>
      %dma_start3A_316 = tpu.memref_squeeze %dma_start3A_315 : memref<1x1024xf32, #tpu.memory_space<hbm>> -> memref<1024xf32, #tpu.memory_space<hbm>>
      %dma_start3A_317 = arith.constant 0 : i32
      %dma_start3A_318 = tpu.memref_slice %arg5[%squeeze3A, %dma_start3A_317] : memref<16x1024xf32, #tpu.memory_space<vmem>> -> memref<1x1024xf32, #tpu.memory_space<vmem>>
      %dma_start3A_319 = tpu.memref_squeeze %dma_start3A_318 : memref<1x1024xf32, #tpu.memory_space<vmem>> -> memref<1024xf32, #tpu.memory_space<vmem>>
      tpu.enqueue_dma source(%dma_start3A_319 : memref<1024xf32, #tpu.memory_space<vmem>>) target(%dma_start3A_316 : memref<1024xf32, #tpu.memory_space<hbm>>) target_semaphore(%arg7 : memref<!tpu.dma_semaphore, #tpu.memory_space<semaphore_mem>>)
      %slice3A_320 = vector.extract_strided_slice %select_n3A_303 {offsets = [1], sizes = [1], strides = [1]} : vector<16xi32> to vector<1xi32>
      %squeeze3A_321 = vector.extract %slice3A_320[0] : i32 from vector<1xi32>
      %mul3A_322 = arith.constant 16 : i32
      %mul3A_323 = arith.muli %while3A_31, %mul3A_322 : i32
      %add3A_324 = arith.addi %mul3A_8, %mul3A_323 : i32
      %add3A_325 = arith.constant 1 : i32
      %add3A_326 = arith.addi %add3A_324, %add3A_325 : i32
      %dma_start3A_327 = arith.constant 0 : i32
      %dma_start3A_328 = tpu.memref_slice %arg5[%squeeze3A_321, %dma_start3A_327] : memref<16x1024xf32, #tpu.memory_space<vmem>> -> memref<1x1024xf32, #tpu.memory_space<vmem>>
      %dma_start3A_329 = tpu.memref_squeeze %dma_start3A_328 : memref<1x1024xf32, #tpu.memory_space<vmem>> -> memref<1024xf32, #tpu.memory_space<vmem>>
      %dma_start3A_330 = arith.constant 0 : i32
      %dma_start3A_331 = tpu.memref_slice %arg4[%add3A_326, %dma_start3A_330] : memref<100000x1024xf32, #tpu.memory_space<hbm>> -> memref<1x1024xf32, #tpu.memory_space<hbm>>
      %dma_start3A_332 = tpu.memref_squeeze %dma_start3A_331 : memref<1x1024xf32, #tpu.memory_space<hbm>> -> memref<1024xf32, #tpu.memory_space<hbm>>
      %dma_start3A_333 = arith.constant 0 : i32
      %dma_start3A_334 = tpu.memref_slice %arg4[%add3A_326, %dma_start3A_333] : memref<100000x1024xf32, #tpu.memory_space<hbm>> -> memref<1x1024xf32, #tpu.memory_space<hbm>>
      %dma_start3A_335 = tpu.memref_squeeze %dma_start3A_334 : memref<1x1024xf32, #tpu.memory_space<hbm>> -> memref<1024xf32, #tpu.memory_space<hbm>>
      %dma_start3A_336 = arith.constant 0 : i32
      %dma_start3A_337 = tpu.memref_slice %arg5[%squeeze3A_321, %dma_start3A_336] : memref<16x1024xf32, #tpu.memory_space<vmem>> -> memref<1x1024xf32, #tpu.memory_space<vmem>>
      %dma_start3A_338 = tpu.memref_squeeze %dma_start3A_337 : memref<1x1024xf32, #tpu.memory_space<vmem>> -> memref<1024xf32, #tpu.memory_space<vmem>>
      tpu.enqueue_dma source(%dma_start3A_338 : memref<1024xf32, #tpu.memory_space<vmem>>) target(%dma_start3A_335 : memref<1024xf32, #tpu.memory_space<hbm>>) target_semaphore(%arg7 : memref<!tpu.dma_semaphore, #tpu.memory_space<semaphore_mem>>)
      %slice3A_339 = vector.extract_strided_slice %select_n3A_303 {offsets = [2], sizes = [1], strides = [1]} : vector<16xi32> to vector<1xi32>
      %squeeze3A_340 = vector.extract %slice3A_339[0] : i32 from vector<1xi32>
      %mul3A_341 = arith.constant 16 : i32
      %mul3A_342 = arith.muli %while3A_31, %mul3A_341 : i32
      %add3A_343 = arith.addi %mul3A_8, %mul3A_342 : i32
      %add3A_344 = arith.constant 2 : i32
      %add3A_345 = arith.addi %add3A_343, %add3A_344 : i32
      %dma_start3A_346 = arith.constant 0 : i32
      %dma_start3A_347 = tpu.memref_slice %arg5[%squeeze3A_340, %dma_start3A_346] : memref<16x1024xf32, #tpu.memory_space<vmem>> -> memref<1x1024xf32, #tpu.memory_space<vmem>>
      %dma_start3A_348 = tpu.memref_squeeze %dma_start3A_347 : memref<1x1024xf32, #tpu.memory_space<vmem>> -> memref<1024xf32, #tpu.memory_space<vmem>>
      %dma_start3A_349 = arith.constant 0 : i32
      %dma_start3A_350 = tpu.memref_slice %arg4[%add3A_345, %dma_start3A_349] : memref<100000x1024xf32, #tpu.memory_space<hbm>> -> memref<1x1024xf32, #tpu.memory_space<hbm>>
      %dma_start3A_351 = tpu.memref_squeeze %dma_start3A_350 : memref<1x1024xf32, #tpu.memory_space<hbm>> -> memref<1024xf32, #tpu.memory_space<hbm>>
      %dma_start3A_352 = arith.constant 0 : i32
      %dma_start3A_353 = tpu.memref_slice %arg4[%add3A_345, %dma_start3A_352] : memref<100000x1024xf32, #tpu.memory_space<hbm>> -> memref<1x1024xf32, #tpu.memory_space<hbm>>
      %dma_start3A_354 = tpu.memref_squeeze %dma_start3A_353 : memref<1x1024xf32, #tpu.memory_space<hbm>> -> memref<1024xf32, #tpu.memory_space<hbm>>
      %dma_start3A_355 = arith.constant 0 : i32
      %dma_start3A_356 = tpu.memref_slice %arg5[%squeeze3A_340, %dma_start3A_355] : memref<16x1024xf32, #tpu.memory_space<vmem>> -> memref<1x1024xf32, #tpu.memory_space<vmem>>
      %dma_start3A_357 = tpu.memref_squeeze %dma_start3A_356 : memref<1x1024xf32, #tpu.memory_space<vmem>> -> memref<1024xf32, #tpu.memory_space<vmem>>
      tpu.enqueue_dma source(%dma_start3A_357 : memref<1024xf32, #tpu.memory_space<vmem>>) target(%dma_start3A_354 : memref<1024xf32, #tpu.memory_space<hbm>>) target_semaphore(%arg7 : memref<!tpu.dma_semaphore, #tpu.memory_space<semaphore_mem>>)
      %slice3A_358 = vector.extract_strided_slice %select_n3A_303 {offsets = [3], sizes = [1], strides = [1]} : vector<16xi32> to vector<1xi32>
      %squeeze3A_359 = vector.extract %slice3A_358[0] : i32 from vector<1xi32>
      %mul3A_360 = arith.constant 16 : i32
      %mul3A_361 = arith.muli %while3A_31, %mul3A_360 : i32
      %add3A_362 = arith.addi %mul3A_8, %mul3A_361 : i32
      %add3A_363 = arith.constant 3 : i32
      %add3A_364 = arith.addi %add3A_362, %add3A_363 : i32
      %dma_start3A_365 = arith.constant 0 : i32
      %dma_start3A_366 = tpu.memref_slice %arg5[%squeeze3A_359, %dma_start3A_365] : memref<16x1024xf32, #tpu.memory_space<vmem>> -> memref<1x1024xf32, #tpu.memory_space<vmem>>
      %dma_start3A_367 = tpu.memref_squeeze %dma_start3A_366 : memref<1x1024xf32, #tpu.memory_space<vmem>> -> memref<1024xf32, #tpu.memory_space<vmem>>
      %dma_start3A_368 = arith.constant 0 : i32
      %dma_start3A_369 = tpu.memref_slice %arg4[%add3A_364, %dma_start3A_368] : memref<100000x1024xf32, #tpu.memory_space<hbm>> -> memref<1x1024xf32, #tpu.memory_space<hbm>>
      %dma_start3A_370 = tpu.memref_squeeze %dma_start3A_369 : memref<1x1024xf32, #tpu.memory_space<hbm>> -> memref<1024xf32, #tpu.memory_space<hbm>>
      %dma_start3A_371 = arith.constant 0 : i32
      %dma_start3A_372 = tpu.memref_slice %arg4[%add3A_364, %dma_start3A_371] : memref<100000x1024xf32, #tpu.memory_space<hbm>> -> memref<1x1024xf32, #tpu.memory_space<hbm>>
      %dma_start3A_373 = tpu.memref_squeeze %dma_start3A_372 : memref<1x1024xf32, #tpu.memory_space<hbm>> -> memref<1024xf32, #tpu.memory_space<hbm>>
      %dma_start3A_374 = arith.constant 0 : i32
      %dma_start3A_375 = tpu.memref_slice %arg5[%squeeze3A_359, %dma_start3A_374] : memref<16x1024xf32, #tpu.memory_space<vmem>> -> memref<1x1024xf32, #tpu.memory_space<vmem>>
      %dma_start3A_376 = tpu.memref_squeeze %dma_start3A_375 : memref<1x1024xf32, #tpu.memory_space<vmem>> -> memref<1024xf32, #tpu.memory_space<vmem>>
      tpu.enqueue_dma source(%dma_start3A_376 : memref<1024xf32, #tpu.memory_space<vmem>>) target(%dma_start3A_373 : memref<1024xf32, #tpu.memory_space<hbm>>) target_semaphore(%arg7 : memref<!tpu.dma_semaphore, #tpu.memory_space<semaphore_mem>>)
      %slice3A_377 = vector.extract_strided_slice %select_n3A_303 {offsets = [4], sizes = [1], strides = [1]} : vector<16xi32> to vector<1xi32>
      %squeeze3A_378 = vector.extract %slice3A_377[0] : i32 from vector<1xi32>
      %mul3A_379 = arith.constant 16 : i32
      %mul3A_380 = arith.muli %while3A_31, %mul3A_379 : i32
      %add3A_381 = arith.addi %mul3A_8, %mul3A_380 : i32
      %add3A_382 = arith.constant 4 : i32
      %add3A_383 = arith.addi %add3A_381, %add3A_382 : i32
      %dma_start3A_384 = arith.constant 0 : i32
      %dma_start3A_385 = tpu.memref_slice %arg5[%squeeze3A_378, %dma_start3A_384] : memref<16x1024xf32, #tpu.memory_space<vmem>> -> memref<1x1024xf32, #tpu.memory_space<vmem>>
      %dma_start3A_386 = tpu.memref_squeeze %dma_start3A_385 : memref<1x1024xf32, #tpu.memory_space<vmem>> -> memref<1024xf32, #tpu.memory_space<vmem>>
      %dma_start3A_387 = arith.constant 0 : i32
      %dma_start3A_388 = tpu.memref_slice %arg4[%add3A_383, %dma_start3A_387] : memref<100000x1024xf32, #tpu.memory_space<hbm>> -> memref<1x1024xf32, #tpu.memory_space<hbm>>
      %dma_start3A_389 = tpu.memref_squeeze %dma_start3A_388 : memref<1x1024xf32, #tpu.memory_space<hbm>> -> memref<1024xf32, #tpu.memory_space<hbm>>
      %dma_start3A_390 = arith.constant 0 : i32
      %dma_start3A_391 = tpu.memref_slice %arg4[%add3A_383, %dma_start3A_390] : memref<100000x1024xf32, #tpu.memory_space<hbm>> -> memref<1x1024xf32, #tpu.memory_space<hbm>>
      %dma_start3A_392 = tpu.memref_squeeze %dma_start3A_391 : memref<1x1024xf32, #tpu.memory_space<hbm>> -> memref<1024xf32, #tpu.memory_space<hbm>>
      %dma_start3A_393 = arith.constant 0 : i32
      %dma_start3A_394 = tpu.memref_slice %arg5[%squeeze3A_378, %dma_start3A_393] : memref<16x1024xf32, #tpu.memory_space<vmem>> -> memref<1x1024xf32, #tpu.memory_space<vmem>>
      %dma_start3A_395 = tpu.memref_squeeze %dma_start3A_394 : memref<1x1024xf32, #tpu.memory_space<vmem>> -> memref<1024xf32, #tpu.memory_space<vmem>>
      tpu.enqueue_dma source(%dma_start3A_395 : memref<1024xf32, #tpu.memory_space<vmem>>) target(%dma_start3A_392 : memref<1024xf32, #tpu.memory_space<hbm>>) target_semaphore(%arg7 : memref<!tpu.dma_semaphore, #tpu.memory_space<semaphore_mem>>)
      %slice3A_396 = vector.extract_strided_slice %select_n3A_303 {offsets = [5], sizes = [1], strides = [1]} : vector<16xi32> to vector<1xi32>
      %squeeze3A_397 = vector.extract %slice3A_396[0] : i32 from vector<1xi32>
      %mul3A_398 = arith.constant 16 : i32
      %mul3A_399 = arith.muli %while3A_31, %mul3A_398 : i32
      %add3A_400 = arith.addi %mul3A_8, %mul3A_399 : i32
      %add3A_401 = arith.constant 5 : i32
      %add3A_402 = arith.addi %add3A_400, %add3A_401 : i32
      %dma_start3A_403 = arith.constant 0 : i32
      %dma_start3A_404 = tpu.memref_slice %arg5[%squeeze3A_397, %dma_start3A_403] : memref<16x1024xf32, #tpu.memory_space<vmem>> -> memref<1x1024xf32, #tpu.memory_space<vmem>>
      %dma_start3A_405 = tpu.memref_squeeze %dma_start3A_404 : memref<1x1024xf32, #tpu.memory_space<vmem>> -> memref<1024xf32, #tpu.memory_space<vmem>>
      %dma_start3A_406 = arith.constant 0 : i32
      %dma_start3A_407 = tpu.memref_slice %arg4[%add3A_402, %dma_start3A_406] : memref<100000x1024xf32, #tpu.memory_space<hbm>> -> memref<1x1024xf32, #tpu.memory_space<hbm>>
      %dma_start3A_408 = tpu.memref_squeeze %dma_start3A_407 : memref<1x1024xf32, #tpu.memory_space<hbm>> -> memref<1024xf32, #tpu.memory_space<hbm>>
      %dma_start3A_409 = arith.constant 0 : i32
      %dma_start3A_410 = tpu.memref_slice %arg4[%add3A_402, %dma_start3A_409] : memref<100000x1024xf32, #tpu.memory_space<hbm>> -> memref<1x1024xf32, #tpu.memory_space<hbm>>
      %dma_start3A_411 = tpu.memref_squeeze %dma_start3A_410 : memref<1x1024xf32, #tpu.memory_space<hbm>> -> memref<1024xf32, #tpu.memory_space<hbm>>
      %dma_start3A_412 = arith.constant 0 : i32
      %dma_start3A_413 = tpu.memref_slice %arg5[%squeeze3A_397, %dma_start3A_412] : memref<16x1024xf32, #tpu.memory_space<vmem>> -> memref<1x1024xf32, #tpu.memory_space<vmem>>
      %dma_start3A_414 = tpu.memref_squeeze %dma_start3A_413 : memref<1x1024xf32, #tpu.memory_space<vmem>> -> memref<1024xf32, #tpu.memory_space<vmem>>
      tpu.enqueue_dma source(%dma_start3A_414 : memref<1024xf32, #tpu.memory_space<vmem>>) target(%dma_start3A_411 : memref<1024xf32, #tpu.memory_space<hbm>>) target_semaphore(%arg7 : memref<!tpu.dma_semaphore, #tpu.memory_space<semaphore_mem>>)
      %slice3A_415 = vector.extract_strided_slice %select_n3A_303 {offsets = [6], sizes = [1], strides = [1]} : vector<16xi32> to vector<1xi32>
      %squeeze3A_416 = vector.extract %slice3A_415[0] : i32 from vector<1xi32>
      %mul3A_417 = arith.constant 16 : i32
      %mul3A_418 = arith.muli %while3A_31, %mul3A_417 : i32
      %add3A_419 = arith.addi %mul3A_8, %mul3A_418 : i32
      %add3A_420 = arith.constant 6 : i32
      %add3A_421 = arith.addi %add3A_419, %add3A_420 : i32
      %dma_start3A_422 = arith.constant 0 : i32
      %dma_start3A_423 = tpu.memref_slice %arg5[%squeeze3A_416, %dma_start3A_422] : memref<16x1024xf32, #tpu.memory_space<vmem>> -> memref<1x1024xf32, #tpu.memory_space<vmem>>
      %dma_start3A_424 = tpu.memref_squeeze %dma_start3A_423 : memref<1x1024xf32, #tpu.memory_space<vmem>> -> memref<1024xf32, #tpu.memory_space<vmem>>
      %dma_start3A_425 = arith.constant 0 : i32
      %dma_start3A_426 = tpu.memref_slice %arg4[%add3A_421, %dma_start3A_425] : memref<100000x1024xf32, #tpu.memory_space<hbm>> -> memref<1x1024xf32, #tpu.memory_space<hbm>>
      %dma_start3A_427 = tpu.memref_squeeze %dma_start3A_426 : memref<1x1024xf32, #tpu.memory_space<hbm>> -> memref<1024xf32, #tpu.memory_space<hbm>>
      %dma_start3A_428 = arith.constant 0 : i32
      %dma_start3A_429 = tpu.memref_slice %arg4[%add3A_421, %dma_start3A_428] : memref<100000x1024xf32, #tpu.memory_space<hbm>> -> memref<1x1024xf32, #tpu.memory_space<hbm>>
      %dma_start3A_430 = tpu.memref_squeeze %dma_start3A_429 : memref<1x1024xf32, #tpu.memory_space<hbm>> -> memref<1024xf32, #tpu.memory_space<hbm>>
      %dma_start3A_431 = arith.constant 0 : i32
      %dma_start3A_432 = tpu.memref_slice %arg5[%squeeze3A_416, %dma_start3A_431] : memref<16x1024xf32, #tpu.memory_space<vmem>> -> memref<1x1024xf32, #tpu.memory_space<vmem>>
      %dma_start3A_433 = tpu.memref_squeeze %dma_start3A_432 : memref<1x1024xf32, #tpu.memory_space<vmem>> -> memref<1024xf32, #tpu.memory_space<vmem>>
      tpu.enqueue_dma source(%dma_start3A_433 : memref<1024xf32, #tpu.memory_space<vmem>>) target(%dma_start3A_430 : memref<1024xf32, #tpu.memory_space<hbm>>) target_semaphore(%arg7 : memref<!tpu.dma_semaphore, #tpu.memory_space<semaphore_mem>>)
      %slice3A_434 = vector.extract_strided_slice %select_n3A_303 {offsets = [7], sizes = [1], strides = [1]} : vector<16xi32> to vector<1xi32>
      %squeeze3A_435 = vector.extract %slice3A_434[0] : i32 from vector<1xi32>
      %mul3A_436 = arith.constant 16 : i32
      %mul3A_437 = arith.muli %while3A_31, %mul3A_436 : i32
      %add3A_438 = arith.addi %mul3A_8, %mul3A_437 : i32
      %add3A_439 = arith.constant 7 : i32
      %add3A_440 = arith.addi %add3A_438, %add3A_439 : i32
      %dma_start3A_441 = arith.constant 0 : i32
      %dma_start3A_442 = tpu.memref_slice %arg5[%squeeze3A_435, %dma_start3A_441] : memref<16x1024xf32, #tpu.memory_space<vmem>> -> memref<1x1024xf32, #tpu.memory_space<vmem>>
      %dma_start3A_443 = tpu.memref_squeeze %dma_start3A_442 : memref<1x1024xf32, #tpu.memory_space<vmem>> -> memref<1024xf32, #tpu.memory_space<vmem>>
      %dma_start3A_444 = arith.constant 0 : i32
      %dma_start3A_445 = tpu.memref_slice %arg4[%add3A_440, %dma_start3A_444] : memref<100000x1024xf32, #tpu.memory_space<hbm>> -> memref<1x1024xf32, #tpu.memory_space<hbm>>
      %dma_start3A_446 = tpu.memref_squeeze %dma_start3A_445 : memref<1x1024xf32, #tpu.memory_space<hbm>> -> memref<1024xf32, #tpu.memory_space<hbm>>
      %dma_start3A_447 = arith.constant 0 : i32
      %dma_start3A_448 = tpu.memref_slice %arg4[%add3A_440, %dma_start3A_447] : memref<100000x1024xf32, #tpu.memory_space<hbm>> -> memref<1x1024xf32, #tpu.memory_space<hbm>>
      %dma_start3A_449 = tpu.memref_squeeze %dma_start3A_448 : memref<1x1024xf32, #tpu.memory_space<hbm>> -> memref<1024xf32, #tpu.memory_space<hbm>>
      %dma_start3A_450 = arith.constant 0 : i32
      %dma_start3A_451 = tpu.memref_slice %arg5[%squeeze3A_435, %dma_start3A_450] : memref<16x1024xf32, #tpu.memory_space<vmem>> -> memref<1x1024xf32, #tpu.memory_space<vmem>>
      %dma_start3A_452 = tpu.memref_squeeze %dma_start3A_451 : memref<1x1024xf32, #tpu.memory_space<vmem>> -> memref<1024xf32, #tpu.memory_space<vmem>>
      tpu.enqueue_dma source(%dma_start3A_452 : memref<1024xf32, #tpu.memory_space<vmem>>) target(%dma_start3A_449 : memref<1024xf32, #tpu.memory_space<hbm>>) target_semaphore(%arg7 : memref<!tpu.dma_semaphore, #tpu.memory_space<semaphore_mem>>)
      %slice3A_453 = vector.extract_strided_slice %select_n3A_303 {offsets = [8], sizes = [1], strides = [1]} : vector<16xi32> to vector<1xi32>
      %squeeze3A_454 = vector.extract %slice3A_453[0] : i32 from vector<1xi32>
      %mul3A_455 = arith.constant 16 : i32
      %mul3A_456 = arith.muli %while3A_31, %mul3A_455 : i32
      %add3A_457 = arith.addi %mul3A_8, %mul3A_456 : i32
      %add3A_458 = arith.constant 8 : i32
      %add3A_459 = arith.addi %add3A_457, %add3A_458 : i32
      %dma_start3A_460 = arith.constant 0 : i32
      %dma_start3A_461 = tpu.memref_slice %arg5[%squeeze3A_454, %dma_start3A_460] : memref<16x1024xf32, #tpu.memory_space<vmem>> -> memref<1x1024xf32, #tpu.memory_space<vmem>>
      %dma_start3A_462 = tpu.memref_squeeze %dma_start3A_461 : memref<1x1024xf32, #tpu.memory_space<vmem>> -> memref<1024xf32, #tpu.memory_space<vmem>>
      %dma_start3A_463 = arith.constant 0 : i32
      %dma_start3A_464 = tpu.memref_slice %arg4[%add3A_459, %dma_start3A_463] : memref<100000x1024xf32, #tpu.memory_space<hbm>> -> memref<1x1024xf32, #tpu.memory_space<hbm>>
      %dma_start3A_465 = tpu.memref_squeeze %dma_start3A_464 : memref<1x1024xf32, #tpu.memory_space<hbm>> -> memref<1024xf32, #tpu.memory_space<hbm>>
      %dma_start3A_466 = arith.constant 0 : i32
      %dma_start3A_467 = tpu.memref_slice %arg4[%add3A_459, %dma_start3A_466] : memref<100000x1024xf32, #tpu.memory_space<hbm>> -> memref<1x1024xf32, #tpu.memory_space<hbm>>
      %dma_start3A_468 = tpu.memref_squeeze %dma_start3A_467 : memref<1x1024xf32, #tpu.memory_space<hbm>> -> memref<1024xf32, #tpu.memory_space<hbm>>
      %dma_start3A_469 = arith.constant 0 : i32
      %dma_start3A_470 = tpu.memref_slice %arg5[%squeeze3A_454, %dma_start3A_469] : memref<16x1024xf32, #tpu.memory_space<vmem>> -> memref<1x1024xf32, #tpu.memory_space<vmem>>
      %dma_start3A_471 = tpu.memref_squeeze %dma_start3A_470 : memref<1x1024xf32, #tpu.memory_space<vmem>> -> memref<1024xf32, #tpu.memory_space<vmem>>
      tpu.enqueue_dma source(%dma_start3A_471 : memref<1024xf32, #tpu.memory_space<vmem>>) target(%dma_start3A_468 : memref<1024xf32, #tpu.memory_space<hbm>>) target_semaphore(%arg7 : memref<!tpu.dma_semaphore, #tpu.memory_space<semaphore_mem>>)
      %slice3A_472 = vector.extract_strided_slice %select_n3A_303 {offsets = [9], sizes = [1], strides = [1]} : vector<16xi32> to vector<1xi32>
      %squeeze3A_473 = vector.extract %slice3A_472[0] : i32 from vector<1xi32>
      %mul3A_474 = arith.constant 16 : i32
      %mul3A_475 = arith.muli %while3A_31, %mul3A_474 : i32
      %add3A_476 = arith.addi %mul3A_8, %mul3A_475 : i32
      %add3A_477 = arith.constant 9 : i32
      %add3A_478 = arith.addi %add3A_476, %add3A_477 : i32
      %dma_start3A_479 = arith.constant 0 : i32
      %dma_start3A_480 = tpu.memref_slice %arg5[%squeeze3A_473, %dma_start3A_479] : memref<16x1024xf32, #tpu.memory_space<vmem>> -> memref<1x1024xf32, #tpu.memory_space<vmem>>
      %dma_start3A_481 = tpu.memref_squeeze %dma_start3A_480 : memref<1x1024xf32, #tpu.memory_space<vmem>> -> memref<1024xf32, #tpu.memory_space<vmem>>
      %dma_start3A_482 = arith.constant 0 : i32
      %dma_start3A_483 = tpu.memref_slice %arg4[%add3A_478, %dma_start3A_482] : memref<100000x1024xf32, #tpu.memory_space<hbm>> -> memref<1x1024xf32, #tpu.memory_space<hbm>>
      %dma_start3A_484 = tpu.memref_squeeze %dma_start3A_483 : memref<1x1024xf32, #tpu.memory_space<hbm>> -> memref<1024xf32, #tpu.memory_space<hbm>>
      %dma_start3A_485 = arith.constant 0 : i32
      %dma_start3A_486 = tpu.memref_slice %arg4[%add3A_478, %dma_start3A_485] : memref<100000x1024xf32, #tpu.memory_space<hbm>> -> memref<1x1024xf32, #tpu.memory_space<hbm>>
      %dma_start3A_487 = tpu.memref_squeeze %dma_start3A_486 : memref<1x1024xf32, #tpu.memory_space<hbm>> -> memref<1024xf32, #tpu.memory_space<hbm>>
      %dma_start3A_488 = arith.constant 0 : i32
      %dma_start3A_489 = tpu.memref_slice %arg5[%squeeze3A_473, %dma_start3A_488] : memref<16x1024xf32, #tpu.memory_space<vmem>> -> memref<1x1024xf32, #tpu.memory_space<vmem>>
      %dma_start3A_490 = tpu.memref_squeeze %dma_start3A_489 : memref<1x1024xf32, #tpu.memory_space<vmem>> -> memref<1024xf32, #tpu.memory_space<vmem>>
      tpu.enqueue_dma source(%dma_start3A_490 : memref<1024xf32, #tpu.memory_space<vmem>>) target(%dma_start3A_487 : memref<1024xf32, #tpu.memory_space<hbm>>) target_semaphore(%arg7 : memref<!tpu.dma_semaphore, #tpu.memory_space<semaphore_mem>>)
      %slice3A_491 = vector.extract_strided_slice %select_n3A_303 {offsets = [10], sizes = [1], strides = [1]} : vector<16xi32> to vector<1xi32>
      %squeeze3A_492 = vector.extract %slice3A_491[0] : i32 from vector<1xi32>
      %mul3A_493 = arith.constant 16 : i32
      %mul3A_494 = arith.muli %while3A_31, %mul3A_493 : i32
      %add3A_495 = arith.addi %mul3A_8, %mul3A_494 : i32
      %add3A_496 = arith.constant 10 : i32
      %add3A_497 = arith.addi %add3A_495, %add3A_496 : i32
      %dma_start3A_498 = arith.constant 0 : i32
      %dma_start3A_499 = tpu.memref_slice %arg5[%squeeze3A_492, %dma_start3A_498] : memref<16x1024xf32, #tpu.memory_space<vmem>> -> memref<1x1024xf32, #tpu.memory_space<vmem>>
      %dma_start3A_500 = tpu.memref_squeeze %dma_start3A_499 : memref<1x1024xf32, #tpu.memory_space<vmem>> -> memref<1024xf32, #tpu.memory_space<vmem>>
      %dma_start3A_501 = arith.constant 0 : i32
      %dma_start3A_502 = tpu.memref_slice %arg4[%add3A_497, %dma_start3A_501] : memref<100000x1024xf32, #tpu.memory_space<hbm>> -> memref<1x1024xf32, #tpu.memory_space<hbm>>
      %dma_start3A_503 = tpu.memref_squeeze %dma_start3A_502 : memref<1x1024xf32, #tpu.memory_space<hbm>> -> memref<1024xf32, #tpu.memory_space<hbm>>
      %dma_start3A_504 = arith.constant 0 : i32
      %dma_start3A_505 = tpu.memref_slice %arg4[%add3A_497, %dma_start3A_504] : memref<100000x1024xf32, #tpu.memory_space<hbm>> -> memref<1x1024xf32, #tpu.memory_space<hbm>>
      %dma_start3A_506 = tpu.memref_squeeze %dma_start3A_505 : memref<1x1024xf32, #tpu.memory_space<hbm>> -> memref<1024xf32, #tpu.memory_space<hbm>>
      %dma_start3A_507 = arith.constant 0 : i32
      %dma_start3A_508 = tpu.memref_slice %arg5[%squeeze3A_492, %dma_start3A_507] : memref<16x1024xf32, #tpu.memory_space<vmem>> -> memref<1x1024xf32, #tpu.memory_space<vmem>>
      %dma_start3A_509 = tpu.memref_squeeze %dma_start3A_508 : memref<1x1024xf32, #tpu.memory_space<vmem>> -> memref<1024xf32, #tpu.memory_space<vmem>>
      tpu.enqueue_dma source(%dma_start3A_509 : memref<1024xf32, #tpu.memory_space<vmem>>) target(%dma_start3A_506 : memref<1024xf32, #tpu.memory_space<hbm>>) target_semaphore(%arg7 : memref<!tpu.dma_semaphore, #tpu.memory_space<semaphore_mem>>)
      %slice3A_510 = vector.extract_strided_slice %select_n3A_303 {offsets = [11], sizes = [1], strides = [1]} : vector<16xi32> to vector<1xi32>
      %squeeze3A_511 = vector.extract %slice3A_510[0] : i32 from vector<1xi32>
      %mul3A_512 = arith.constant 16 : i32
      %mul3A_513 = arith.muli %while3A_31, %mul3A_512 : i32
      %add3A_514 = arith.addi %mul3A_8, %mul3A_513 : i32
      %add3A_515 = arith.constant 11 : i32
      %add3A_516 = arith.addi %add3A_514, %add3A_515 : i32
      %dma_start3A_517 = arith.constant 0 : i32
      %dma_start3A_518 = tpu.memref_slice %arg5[%squeeze3A_511, %dma_start3A_517] : memref<16x1024xf32, #tpu.memory_space<vmem>> -> memref<1x1024xf32, #tpu.memory_space<vmem>>
      %dma_start3A_519 = tpu.memref_squeeze %dma_start3A_518 : memref<1x1024xf32, #tpu.memory_space<vmem>> -> memref<1024xf32, #tpu.memory_space<vmem>>
      %dma_start3A_520 = arith.constant 0 : i32
      %dma_start3A_521 = tpu.memref_slice %arg4[%add3A_516, %dma_start3A_520] : memref<100000x1024xf32, #tpu.memory_space<hbm>> -> memref<1x1024xf32, #tpu.memory_space<hbm>>
      %dma_start3A_522 = tpu.memref_squeeze %dma_start3A_521 : memref<1x1024xf32, #tpu.memory_space<hbm>> -> memref<1024xf32, #tpu.memory_space<hbm>>
      %dma_start3A_523 = arith.constant 0 : i32
      %dma_start3A_524 = tpu.memref_slice %arg4[%add3A_516, %dma_start3A_523] : memref<100000x1024xf32, #tpu.memory_space<hbm>> -> memref<1x1024xf32, #tpu.memory_space<hbm>>
      %dma_start3A_525 = tpu.memref_squeeze %dma_start3A_524 : memref<1x1024xf32, #tpu.memory_space<hbm>> -> memref<1024xf32, #tpu.memory_space<hbm>>
      %dma_start3A_526 = arith.constant 0 : i32
      %dma_start3A_527 = tpu.memref_slice %arg5[%squeeze3A_511, %dma_start3A_526] : memref<16x1024xf32, #tpu.memory_space<vmem>> -> memref<1x1024xf32, #tpu.memory_space<vmem>>
      %dma_start3A_528 = tpu.memref_squeeze %dma_start3A_527 : memref<1x1024xf32, #tpu.memory_space<vmem>> -> memref<1024xf32, #tpu.memory_space<vmem>>
      tpu.enqueue_dma source(%dma_start3A_528 : memref<1024xf32, #tpu.memory_space<vmem>>) target(%dma_start3A_525 : memref<1024xf32, #tpu.memory_space<hbm>>) target_semaphore(%arg7 : memref<!tpu.dma_semaphore, #tpu.memory_space<semaphore_mem>>)
      %slice3A_529 = vector.extract_strided_slice %select_n3A_303 {offsets = [12], sizes = [1], strides = [1]} : vector<16xi32> to vector<1xi32>
      %squeeze3A_530 = vector.extract %slice3A_529[0] : i32 from vector<1xi32>
      %mul3A_531 = arith.constant 16 : i32
      %mul3A_532 = arith.muli %while3A_31, %mul3A_531 : i32
      %add3A_533 = arith.addi %mul3A_8, %mul3A_532 : i32
      %add3A_534 = arith.constant 12 : i32
      %add3A_535 = arith.addi %add3A_533, %add3A_534 : i32
      %dma_start3A_536 = arith.constant 0 : i32
      %dma_start3A_537 = tpu.memref_slice %arg5[%squeeze3A_530, %dma_start3A_536] : memref<16x1024xf32, #tpu.memory_space<vmem>> -> memref<1x1024xf32, #tpu.memory_space<vmem>>
      %dma_start3A_538 = tpu.memref_squeeze %dma_start3A_537 : memref<1x1024xf32, #tpu.memory_space<vmem>> -> memref<1024xf32, #tpu.memory_space<vmem>>
      %dma_start3A_539 = arith.constant 0 : i32
      %dma_start3A_540 = tpu.memref_slice %arg4[%add3A_535, %dma_start3A_539] : memref<100000x1024xf32, #tpu.memory_space<hbm>> -> memref<1x1024xf32, #tpu.memory_space<hbm>>
      %dma_start3A_541 = tpu.memref_squeeze %dma_start3A_540 : memref<1x1024xf32, #tpu.memory_space<hbm>> -> memref<1024xf32, #tpu.memory_space<hbm>>
      %dma_start3A_542 = arith.constant 0 : i32
      %dma_start3A_543 = tpu.memref_slice %arg4[%add3A_535, %dma_start3A_542] : memref<100000x1024xf32, #tpu.memory_space<hbm>> -> memref<1x1024xf32, #tpu.memory_space<hbm>>
      %dma_start3A_544 = tpu.memref_squeeze %dma_start3A_543 : memref<1x1024xf32, #tpu.memory_space<hbm>> -> memref<1024xf32, #tpu.memory_space<hbm>>
      %dma_start3A_545 = arith.constant 0 : i32
      %dma_start3A_546 = tpu.memref_slice %arg5[%squeeze3A_530, %dma_start3A_545] : memref<16x1024xf32, #tpu.memory_space<vmem>> -> memref<1x1024xf32, #tpu.memory_space<vmem>>
      %dma_start3A_547 = tpu.memref_squeeze %dma_start3A_546 : memref<1x1024xf32, #tpu.memory_space<vmem>> -> memref<1024xf32, #tpu.memory_space<vmem>>
      tpu.enqueue_dma source(%dma_start3A_547 : memref<1024xf32, #tpu.memory_space<vmem>>) target(%dma_start3A_544 : memref<1024xf32, #tpu.memory_space<hbm>>) target_semaphore(%arg7 : memref<!tpu.dma_semaphore, #tpu.memory_space<semaphore_mem>>)
      %slice3A_548 = vector.extract_strided_slice %select_n3A_303 {offsets = [13], sizes = [1], strides = [1]} : vector<16xi32> to vector<1xi32>
      %squeeze3A_549 = vector.extract %slice3A_548[0] : i32 from vector<1xi32>
      %mul3A_550 = arith.constant 16 : i32
      %mul3A_551 = arith.muli %while3A_31, %mul3A_550 : i32
      %add3A_552 = arith.addi %mul3A_8, %mul3A_551 : i32
      %add3A_553 = arith.constant 13 : i32
      %add3A_554 = arith.addi %add3A_552, %add3A_553 : i32
      %dma_start3A_555 = arith.constant 0 : i32
      %dma_start3A_556 = tpu.memref_slice %arg5[%squeeze3A_549, %dma_start3A_555] : memref<16x1024xf32, #tpu.memory_space<vmem>> -> memref<1x1024xf32, #tpu.memory_space<vmem>>
      %dma_start3A_557 = tpu.memref_squeeze %dma_start3A_556 : memref<1x1024xf32, #tpu.memory_space<vmem>> -> memref<1024xf32, #tpu.memory_space<vmem>>
      %dma_start3A_558 = arith.constant 0 : i32
      %dma_start3A_559 = tpu.memref_slice %arg4[%add3A_554, %dma_start3A_558] : memref<100000x1024xf32, #tpu.memory_space<hbm>> -> memref<1x1024xf32, #tpu.memory_space<hbm>>
      %dma_start3A_560 = tpu.memref_squeeze %dma_start3A_559 : memref<1x1024xf32, #tpu.memory_space<hbm>> -> memref<1024xf32, #tpu.memory_space<hbm>>
      %dma_start3A_561 = arith.constant 0 : i32
      %dma_start3A_562 = tpu.memref_slice %arg4[%add3A_554, %dma_start3A_561] : memref<100000x1024xf32, #tpu.memory_space<hbm>> -> memref<1x1024xf32, #tpu.memory_space<hbm>>
      %dma_start3A_563 = tpu.memref_squeeze %dma_start3A_562 : memref<1x1024xf32, #tpu.memory_space<hbm>> -> memref<1024xf32, #tpu.memory_space<hbm>>
      %dma_start3A_564 = arith.constant 0 : i32
      %dma_start3A_565 = tpu.memref_slice %arg5[%squeeze3A_549, %dma_start3A_564] : memref<16x1024xf32, #tpu.memory_space<vmem>> -> memref<1x1024xf32, #tpu.memory_space<vmem>>
      %dma_start3A_566 = tpu.memref_squeeze %dma_start3A_565 : memref<1x1024xf32, #tpu.memory_space<vmem>> -> memref<1024xf32, #tpu.memory_space<vmem>>
      tpu.enqueue_dma source(%dma_start3A_566 : memref<1024xf32, #tpu.memory_space<vmem>>) target(%dma_start3A_563 : memref<1024xf32, #tpu.memory_space<hbm>>) target_semaphore(%arg7 : memref<!tpu.dma_semaphore, #tpu.memory_space<semaphore_mem>>)
      %slice3A_567 = vector.extract_strided_slice %select_n3A_303 {offsets = [14], sizes = [1], strides = [1]} : vector<16xi32> to vector<1xi32>
      %squeeze3A_568 = vector.extract %slice3A_567[0] : i32 from vector<1xi32>
      %mul3A_569 = arith.constant 16 : i32
      %mul3A_570 = arith.muli %while3A_31, %mul3A_569 : i32
      %add3A_571 = arith.addi %mul3A_8, %mul3A_570 : i32
      %add3A_572 = arith.constant 14 : i32
      %add3A_573 = arith.addi %add3A_571, %add3A_572 : i32
      %dma_start3A_574 = arith.constant 0 : i32
      %dma_start3A_575 = tpu.memref_slice %arg5[%squeeze3A_568, %dma_start3A_574] : memref<16x1024xf32, #tpu.memory_space<vmem>> -> memref<1x1024xf32, #tpu.memory_space<vmem>>
      %dma_start3A_576 = tpu.memref_squeeze %dma_start3A_575 : memref<1x1024xf32, #tpu.memory_space<vmem>> -> memref<1024xf32, #tpu.memory_space<vmem>>
      %dma_start3A_577 = arith.constant 0 : i32
      %dma_start3A_578 = tpu.memref_slice %arg4[%add3A_573, %dma_start3A_577] : memref<100000x1024xf32, #tpu.memory_space<hbm>> -> memref<1x1024xf32, #tpu.memory_space<hbm>>
      %dma_start3A_579 = tpu.memref_squeeze %dma_start3A_578 : memref<1x1024xf32, #tpu.memory_space<hbm>> -> memref<1024xf32, #tpu.memory_space<hbm>>
      %dma_start3A_580 = arith.constant 0 : i32
      %dma_start3A_581 = tpu.memref_slice %arg4[%add3A_573, %dma_start3A_580] : memref<100000x1024xf32, #tpu.memory_space<hbm>> -> memref<1x1024xf32, #tpu.memory_space<hbm>>
      %dma_start3A_582 = tpu.memref_squeeze %dma_start3A_581 : memref<1x1024xf32, #tpu.memory_space<hbm>> -> memref<1024xf32, #tpu.memory_space<hbm>>
      %dma_start3A_583 = arith.constant 0 : i32
      %dma_start3A_584 = tpu.memref_slice %arg5[%squeeze3A_568, %dma_start3A_583] : memref<16x1024xf32, #tpu.memory_space<vmem>> -> memref<1x1024xf32, #tpu.memory_space<vmem>>
      %dma_start3A_585 = tpu.memref_squeeze %dma_start3A_584 : memref<1x1024xf32, #tpu.memory_space<vmem>> -> memref<1024xf32, #tpu.memory_space<vmem>>
      tpu.enqueue_dma source(%dma_start3A_585 : memref<1024xf32, #tpu.memory_space<vmem>>) target(%dma_start3A_582 : memref<1024xf32, #tpu.memory_space<hbm>>) target_semaphore(%arg7 : memref<!tpu.dma_semaphore, #tpu.memory_space<semaphore_mem>>)
      %slice3A_586 = vector.extract_strided_slice %select_n3A_303 {offsets = [15], sizes = [1], strides = [1]} : vector<16xi32> to vector<1xi32>
      %squeeze3A_587 = vector.extract %slice3A_586[0] : i32 from vector<1xi32>
      %mul3A_588 = arith.constant 16 : i32
      %mul3A_589 = arith.muli %while3A_31, %mul3A_588 : i32
      %add3A_590 = arith.addi %mul3A_8, %mul3A_589 : i32
      %add3A_591 = arith.constant 15 : i32
      %add3A_592 = arith.addi %add3A_590, %add3A_591 : i32
      %dma_start3A_593 = arith.constant 0 : i32
      %dma_start3A_594 = tpu.memref_slice %arg5[%squeeze3A_587, %dma_start3A_593] : memref<16x1024xf32, #tpu.memory_space<vmem>> -> memref<1x1024xf32, #tpu.memory_space<vmem>>
      %dma_start3A_595 = tpu.memref_squeeze %dma_start3A_594 : memref<1x1024xf32, #tpu.memory_space<vmem>> -> memref<1024xf32, #tpu.memory_space<vmem>>
      %dma_start3A_596 = arith.constant 0 : i32
      %dma_start3A_597 = tpu.memref_slice %arg4[%add3A_592, %dma_start3A_596] : memref<100000x1024xf32, #tpu.memory_space<hbm>> -> memref<1x1024xf32, #tpu.memory_space<hbm>>
      %dma_start3A_598 = tpu.memref_squeeze %dma_start3A_597 : memref<1x1024xf32, #tpu.memory_space<hbm>> -> memref<1024xf32, #tpu.memory_space<hbm>>
      %dma_start3A_599 = arith.constant 0 : i32
      %dma_start3A_600 = tpu.memref_slice %arg4[%add3A_592, %dma_start3A_599] : memref<100000x1024xf32, #tpu.memory_space<hbm>> -> memref<1x1024xf32, #tpu.memory_space<hbm>>
      %dma_start3A_601 = tpu.memref_squeeze %dma_start3A_600 : memref<1x1024xf32, #tpu.memory_space<hbm>> -> memref<1024xf32, #tpu.memory_space<hbm>>
      %dma_start3A_602 = arith.constant 0 : i32
      %dma_start3A_603 = tpu.memref_slice %arg5[%squeeze3A_587, %dma_start3A_602] : memref<16x1024xf32, #tpu.memory_space<vmem>> -> memref<1x1024xf32, #tpu.memory_space<vmem>>
      %dma_start3A_604 = tpu.memref_squeeze %dma_start3A_603 : memref<1x1024xf32, #tpu.memory_space<vmem>> -> memref<1024xf32, #tpu.memory_space<vmem>>
      tpu.enqueue_dma source(%dma_start3A_604 : memref<1024xf32, #tpu.memory_space<vmem>>) target(%dma_start3A_601 : memref<1024xf32, #tpu.memory_space<hbm>>) target_semaphore(%arg7 : memref<!tpu.dma_semaphore, #tpu.memory_space<semaphore_mem>>)
      %ge3A = arith.constant 8 : i32
      %ge3A_605 = arith.cmpi sge, %while3A_31, %ge3A : i32
      %convert_element_type3A_606 = arith.extui %ge3A_605 : i1 to i32
      %cond3A_607 = arith.constant 0 : i32
      %cond3A_608 = arith.cmpi ne, %convert_element_type3A_606, %cond3A_607 : i32
      scf.if %cond3A_608 {
        %scan3A_609 = arith.constant 0 : i32
        %scan3A_610 = arith.constant 0 : i32
        %scan3A_611 = arith.constant 16 : i32
        %scan3A_612 = arith.addi %scan3A_610, %scan3A_611 : i32
        %scan3A_613 = arith.constant 1 : i32
        scf.for %scan3A_615 = %scan3A_610 to %scan3A_612 step %scan3A_613  : i32 {
          %dma_wait3A = arith.constant 0 : i32
          %dma_wait3A_616 = arith.constant 0 : i32
          %dma_wait3A_617 = tpu.memref_slice %arg5[%dma_wait3A, %dma_wait3A_616] : memref<16x1024xf32, #tpu.memory_space<vmem>> -> memref<1x1024xf32, #tpu.memory_space<vmem>>
          %dma_wait3A_618 = tpu.memref_squeeze %dma_wait3A_617 : memref<1x1024xf32, #tpu.memory_space<vmem>> -> memref<1024xf32, #tpu.memory_space<vmem>>
          %dma_wait3A_619 = arith.constant 0 : i32
          %dma_wait3A_620 = tpu.memref_slice %arg4[%mul3A_8, %dma_wait3A_619] : memref<100000x1024xf32, #tpu.memory_space<hbm>> -> memref<1x1024xf32, #tpu.memory_space<hbm>>
          %dma_wait3A_621 = tpu.memref_squeeze %dma_wait3A_620 : memref<1x1024xf32, #tpu.memory_space<hbm>> -> memref<1024xf32, #tpu.memory_space<hbm>>
          %dma_wait3A_622 = arith.constant 0 : i32
          %dma_wait3A_623 = tpu.memref_slice %arg4[%mul3A_8, %dma_wait3A_622] : memref<100000x1024xf32, #tpu.memory_space<hbm>> -> memref<1x1024xf32, #tpu.memory_space<hbm>>
          %dma_wait3A_624 = tpu.memref_squeeze %dma_wait3A_623 : memref<1x1024xf32, #tpu.memory_space<hbm>> -> memref<1024xf32, #tpu.memory_space<hbm>>
          %dma_wait3A_625 = arith.constant 0 : i32
          %dma_wait3A_626 = tpu.memref_slice %arg5[%dma_wait3A, %dma_wait3A_625] : memref<16x1024xf32, #tpu.memory_space<vmem>> -> memref<1x1024xf32, #tpu.memory_space<vmem>>
          %dma_wait3A_627 = tpu.memref_squeeze %dma_wait3A_626 : memref<1x1024xf32, #tpu.memory_space<vmem>> -> memref<1024xf32, #tpu.memory_space<vmem>>
          tpu.wait_dma2 semaphore(%arg7 : memref<!tpu.dma_semaphore, #tpu.memory_space<semaphore_mem>>) src(%dma_wait3A_627 : memref<1024xf32, #tpu.memory_space<vmem>>) dst(%dma_wait3A_624 : memref<1024xf32, #tpu.memory_space<hbm>>)
        }
        %scan3A_614 = arith.constant 16 : i32
      } else {
      }
    }
    %while3A_25 = arith.constant 1 : i32
    scf.for %while3A_31 = %while3A_23 to %while3A_19 step %while3A_25  : i32 {
      %mul3A_32 = arith.constant 16 : i32
      %mul3A_33 = arith.muli %while3A_31, %mul3A_32 : i32
      %iota3A = tpu.iota {dimensions = array<i32: 0>} : vector<16xi32>
      %broadcast_in_dim3A = arith.constant 0 : i32
      %broadcast_in_dim3A_34 = vector.broadcast %broadcast_in_dim3A : i32 to vector<16xi32>
      %add3A_35 = arith.constant 0 : i32
      %add3A_36 = arith.addi %mul3A_33, %add3A_35 : i32
      %mul3A_37 = arith.constant 16 : i32
      %mul3A_38 = arith.muli %add3A_36, %mul3A_37 : i32
      %get3A = arith.index_cast %mul3A_38 : i32 to index
      %get3A_39 = tpu.vector_load %arg6[%get3A] {strides = array<i32>} : memref<50176xf32, #tpu.memory_space<vmem>>, vector<16xf32>,
      %reduce_max3A = arith.constant true
      %reduce_max3A_40 = vector.broadcast %reduce_max3A : i1 to vector<16xi1>
      %reduce_max3A_41 = tpu.scan <max>, %get3A_39 masked %reduce_max3A_40 : vector<16xf32>, vector<16xi1> -> vector<16xf32>
      %reduce_max3A_42 = vector.extract %reduce_max3A_41[15] : f32 from vector<16xf32>
      %eq3A_43 = vector.broadcast %reduce_max3A_42 : f32 to vector<16xf32>
      %eq3A_44 = arith.cmpf oeq, %get3A_39, %eq3A_43 : vector<16xf32>
      %all_reduce_ffs3A = tpu.all_reduce %eq3A_44 {dim = 0 : i64, kind = #tpu.reduction_kind<find_first_set>} : vector<16xi1> -> vector<16xi32>
      %eq3A_45 = arith.constant 0 : i32
      %eq3A_46 = vector.broadcast %eq3A_45 : i32 to vector<16xi32>
      %eq3A_47 = arith.cmpi eq, %iota3A, %eq3A_46 : vector<16xi32>
      %select_n3A_48 = arith.select %eq3A_47, %all_reduce_ffs3A, %broadcast_in_dim3A_34 : vector<16xi1>, vector<16xi32>
      %add3A_49 = arith.constant 1 : i32
      %add3A_50 = arith.addi %mul3A_33, %add3A_49 : i32
      %mul3A_51 = arith.constant 16 : i32
      %mul3A_52 = arith.muli %add3A_50, %mul3A_51 : i32
      %get3A_53 = arith.index_cast %mul3A_52 : i32 to index
      %get3A_54 = tpu.vector_load %arg6[%get3A_53] {strides = array<i32>} : memref<50176xf32, #tpu.memory_space<vmem>>, vector<16xf32>,
      %reduce_max3A_55 = arith.constant true
      %reduce_max3A_56 = vector.broadcast %reduce_max3A_55 : i1 to vector<16xi1>
      %reduce_max3A_57 = tpu.scan <max>, %get3A_54 masked %reduce_max3A_56 : vector<16xf32>, vector<16xi1> -> vector<16xf32>
      %reduce_max3A_58 = vector.extract %reduce_max3A_57[15] : f32 from vector<16xf32>
      %eq3A_59 = vector.broadcast %reduce_max3A_58 : f32 to vector<16xf32>
      %eq3A_60 = arith.cmpf oeq, %get3A_54, %eq3A_59 : vector<16xf32>
      %all_reduce_ffs3A_61 = tpu.all_reduce %eq3A_60 {dim = 0 : i64, kind = #tpu.reduction_kind<find_first_set>} : vector<16xi1> -> vector<16xi32>
      %eq3A_62 = arith.constant 1 : i32
      %eq3A_63 = vector.broadcast %eq3A_62 : i32 to vector<16xi32>
      %eq3A_64 = arith.cmpi eq, %iota3A, %eq3A_63 : vector<16xi32>
      %select_n3A_65 = arith.select %eq3A_64, %all_reduce_ffs3A_61, %select_n3A_48 : vector<16xi1>, vector<16xi32>
      %add3A_66 = arith.constant 2 : i32
      %add3A_67 = arith.addi %mul3A_33, %add3A_66 : i32
      %mul3A_68 = arith.constant 16 : i32
      %mul3A_69 = arith.muli %add3A_67, %mul3A_68 : i32
      %get3A_70 = arith.index_cast %mul3A_69 : i32 to index
      %get3A_71 = tpu.vector_load %arg6[%get3A_70] {strides = array<i32>} : memref<50176xf32, #tpu.memory_space<vmem>>, vector<16xf32>,
      %reduce_max3A_72 = arith.constant true
      %reduce_max3A_73 = vector.broadcast %reduce_max3A_72 : i1 to vector<16xi1>
      %reduce_max3A_74 = tpu.scan <max>, %get3A_71 masked %reduce_max3A_73 : vector<16xf32>, vector<16xi1> -> vector<16xf32>
      %reduce_max3A_75 = vector.extract %reduce_max3A_74[15] : f32 from vector<16xf32>
      %eq3A_76 = vector.broadcast %reduce_max3A_75 : f32 to vector<16xf32>
      %eq3A_77 = arith.cmpf oeq, %get3A_71, %eq3A_76 : vector<16xf32>
      %all_reduce_ffs3A_78 = tpu.all_reduce %eq3A_77 {dim = 0 : i64, kind = #tpu.reduction_kind<find_first_set>} : vector<16xi1> -> vector<16xi32>
      %eq3A_79 = arith.constant 2 : i32
      %eq3A_80 = vector.broadcast %eq3A_79 : i32 to vector<16xi32>
      %eq3A_81 = arith.cmpi eq, %iota3A, %eq3A_80 : vector<16xi32>
      %select_n3A_82 = arith.select %eq3A_81, %all_reduce_ffs3A_78, %select_n3A_65 : vector<16xi1>, vector<16xi32>
      %add3A_83 = arith.constant 3 : i32
      %add3A_84 = arith.addi %mul3A_33, %add3A_83 : i32
      %mul3A_85 = arith.constant 16 : i32
      %mul3A_86 = arith.muli %add3A_84, %mul3A_85 : i32
      %get3A_87 = arith.index_cast %mul3A_86 : i32 to index
      %get3A_88 = tpu.vector_load %arg6[%get3A_87] {strides = array<i32>} : memref<50176xf32, #tpu.memory_space<vmem>>, vector<16xf32>,
      %reduce_max3A_89 = arith.constant true
      %reduce_max3A_90 = vector.broadcast %reduce_max3A_89 : i1 to vector<16xi1>
      %reduce_max3A_91 = tpu.scan <max>, %get3A_88 masked %reduce_max3A_90 : vector<16xf32>, vector<16xi1> -> vector<16xf32>
      %reduce_max3A_92 = vector.extract %reduce_max3A_91[15] : f32 from vector<16xf32>
      %eq3A_93 = vector.broadcast %reduce_max3A_92 : f32 to vector<16xf32>
      %eq3A_94 = arith.cmpf oeq, %get3A_88, %eq3A_93 : vector<16xf32>
      %all_reduce_ffs3A_95 = tpu.all_reduce %eq3A_94 {dim = 0 : i64, kind = #tpu.reduction_kind<find_first_set>} : vector<16xi1> -> vector<16xi32>
      %eq3A_96 = arith.constant 3 : i32
      %eq3A_97 = vector.broadcast %eq3A_96 : i32 to vector<16xi32>
      %eq3A_98 = arith.cmpi eq, %iota3A, %eq3A_97 : vector<16xi32>
      %select_n3A_99 = arith.select %eq3A_98, %all_reduce_ffs3A_95, %select_n3A_82 : vector<16xi1>, vector<16xi32>
      %add3A_100 = arith.constant 4 : i32
      %add3A_101 = arith.addi %mul3A_33, %add3A_100 : i32
      %mul3A_102 = arith.constant 16 : i32
      %mul3A_103 = arith.muli %add3A_101, %mul3A_102 : i32
      %get3A_104 = arith.index_cast %mul3A_103 : i32 to index
      %get3A_105 = tpu.vector_load %arg6[%get3A_104] {strides = array<i32>} : memref<50176xf32, #tpu.memory_space<vmem>>, vector<16xf32>,
      %reduce_max3A_106 = arith.constant true
      %reduce_max3A_107 = vector.broadcast %reduce_max3A_106 : i1 to vector<16xi1>
      %reduce_max3A_108 = tpu.scan <max>, %get3A_105 masked %reduce_max3A_107 : vector<16xf32>, vector<16xi1> -> vector<16xf32>
      %reduce_max3A_109 = vector.extract %reduce_max3A_108[15] : f32 from vector<16xf32>
      %eq3A_110 = vector.broadcast %reduce_max3A_109 : f32 to vector<16xf32>
      %eq3A_111 = arith.cmpf oeq, %get3A_105, %eq3A_110 : vector<16xf32>
      %all_reduce_ffs3A_112 = tpu.all_reduce %eq3A_111 {dim = 0 : i64, kind = #tpu.reduction_kind<find_first_set>} : vector<16xi1> -> vector<16xi32>
      %eq3A_113 = arith.constant 4 : i32
      %eq3A_114 = vector.broadcast %eq3A_113 : i32 to vector<16xi32>
      %eq3A_115 = arith.cmpi eq, %iota3A, %eq3A_114 : vector<16xi32>
      %select_n3A_116 = arith.select %eq3A_115, %all_reduce_ffs3A_112, %select_n3A_99 : vector<16xi1>, vector<16xi32>
      %add3A_117 = arith.constant 5 : i32
      %add3A_118 = arith.addi %mul3A_33, %add3A_117 : i32
      %mul3A_119 = arith.constant 16 : i32
      %mul3A_120 = arith.muli %add3A_118, %mul3A_119 : i32
      %get3A_121 = arith.index_cast %mul3A_120 : i32 to index
      %get3A_122 = tpu.vector_load %arg6[%get3A_121] {strides = array<i32>} : memref<50176xf32, #tpu.memory_space<vmem>>, vector<16xf32>,
      %reduce_max3A_123 = arith.constant true
      %reduce_max3A_124 = vector.broadcast %reduce_max3A_123 : i1 to vector<16xi1>
      %reduce_max3A_125 = tpu.scan <max>, %get3A_122 masked %reduce_max3A_124 : vector<16xf32>, vector<16xi1> -> vector<16xf32>
      %reduce_max3A_126 = vector.extract %reduce_max3A_125[15] : f32 from vector<16xf32>
      %eq3A_127 = vector.broadcast %reduce_max3A_126 : f32 to vector<16xf32>
      %eq3A_128 = arith.cmpf oeq, %get3A_122, %eq3A_127 : vector<16xf32>
      %all_reduce_ffs3A_129 = tpu.all_reduce %eq3A_128 {dim = 0 : i64, kind = #tpu.reduction_kind<find_first_set>} : vector<16xi1> -> vector<16xi32>
      %eq3A_130 = arith.constant 5 : i32
      %eq3A_131 = vector.broadcast %eq3A_130 : i32 to vector<16xi32>
      %eq3A_132 = arith.cmpi eq, %iota3A, %eq3A_131 : vector<16xi32>
      %select_n3A_133 = arith.select %eq3A_132, %all_reduce_ffs3A_129, %select_n3A_116 : vector<16xi1>, vector<16xi32>
      %add3A_134 = arith.constant 6 : i32
      %add3A_135 = arith.addi %mul3A_33, %add3A_134 : i32
      %mul3A_136 = arith.constant 16 : i32
      %mul3A_137 = arith.muli %add3A_135, %mul3A_136 : i32
      %get3A_138 = arith.index_cast %mul3A_137 : i32 to index
      %get3A_139 = tpu.vector_load %arg6[%get3A_138] {strides = array<i32>} : memref<50176xf32, #tpu.memory_space<vmem>>, vector<16xf32>,
      %reduce_max3A_140 = arith.constant true
      %reduce_max3A_141 = vector.broadcast %reduce_max3A_140 : i1 to vector<16xi1>
      %reduce_max3A_142 = tpu.scan <max>, %get3A_139 masked %reduce_max3A_141 : vector<16xf32>, vector<16xi1> -> vector<16xf32>
      %reduce_max3A_143 = vector.extract %reduce_max3A_142[15] : f32 from vector<16xf32>
      %eq3A_144 = vector.broadcast %reduce_max3A_143 : f32 to vector<16xf32>
      %eq3A_145 = arith.cmpf oeq, %get3A_139, %eq3A_144 : vector<16xf32>
      %all_reduce_ffs3A_146 = tpu.all_reduce %eq3A_145 {dim = 0 : i64, kind = #tpu.reduction_kind<find_first_set>} : vector<16xi1> -> vector<16xi32>
      %eq3A_147 = arith.constant 6 : i32
      %eq3A_148 = vector.broadcast %eq3A_147 : i32 to vector<16xi32>
      %eq3A_149 = arith.cmpi eq, %iota3A, %eq3A_148 : vector<16xi32>
      %select_n3A_150 = arith.select %eq3A_149, %all_reduce_ffs3A_146, %select_n3A_133 : vector<16xi1>, vector<16xi32>
      %add3A_151 = arith.constant 7 : i32
      %add3A_152 = arith.addi %mul3A_33, %add3A_151 : i32
      %mul3A_153 = arith.constant 16 : i32
      %mul3A_154 = arith.muli %add3A_152, %mul3A_153 : i32
      %get3A_155 = arith.index_cast %mul3A_154 : i32 to index
      %get3A_156 = tpu.vector_load %arg6[%get3A_155] {strides = array<i32>} : memref<50176xf32, #tpu.memory_space<vmem>>, vector<16xf32>,
      %reduce_max3A_157 = arith.constant true
      %reduce_max3A_158 = vector.broadcast %reduce_max3A_157 : i1 to vector<16xi1>
      %reduce_max3A_159 = tpu.scan <max>, %get3A_156 masked %reduce_max3A_158 : vector<16xf32>, vector<16xi1> -> vector<16xf32>
      %reduce_max3A_160 = vector.extract %reduce_max3A_159[15] : f32 from vector<16xf32>
      %eq3A_161 = vector.broadcast %reduce_max3A_160 : f32 to vector<16xf32>
      %eq3A_162 = arith.cmpf oeq, %get3A_156, %eq3A_161 : vector<16xf32>
      %all_reduce_ffs3A_163 = tpu.all_reduce %eq3A_162 {dim = 0 : i64, kind = #tpu.reduction_kind<find_first_set>} : vector<16xi1> -> vector<16xi32>
      %eq3A_164 = arith.constant 7 : i32
      %eq3A_165 = vector.broadcast %eq3A_164 : i32 to vector<16xi32>
      %eq3A_166 = arith.cmpi eq, %iota3A, %eq3A_165 : vector<16xi32>
      %select_n3A_167 = arith.select %eq3A_166, %all_reduce_ffs3A_163, %select_n3A_150 : vector<16xi1>, vector<16xi32>
      %add3A_168 = arith.constant 8 : i32
      %add3A_169 = arith.addi %mul3A_33, %add3A_168 : i32
      %mul3A_170 = arith.constant 16 : i32
      %mul3A_171 = arith.muli %add3A_169, %mul3A_170 : i32
      %get3A_172 = arith.index_cast %mul3A_171 : i32 to index
      %get3A_173 = tpu.vector_load %arg6[%get3A_172] {strides = array<i32>} : memref<50176xf32, #tpu.memory_space<vmem>>, vector<16xf32>,
      %reduce_max3A_174 = arith.constant true
      %reduce_max3A_175 = vector.broadcast %reduce_max3A_174 : i1 to vector<16xi1>
      %reduce_max3A_176 = tpu.scan <max>, %get3A_173 masked %reduce_max3A_175 : vector<16xf32>, vector<16xi1> -> vector<16xf32>
      %reduce_max3A_177 = vector.extract %reduce_max3A_176[15] : f32 from vector<16xf32>
      %eq3A_178 = vector.broadcast %reduce_max3A_177 : f32 to vector<16xf32>
      %eq3A_179 = arith.cmpf oeq, %get3A_173, %eq3A_178 : vector<16xf32>
      %all_reduce_ffs3A_180 = tpu.all_reduce %eq3A_179 {dim = 0 : i64, kind = #tpu.reduction_kind<find_first_set>} : vector<16xi1> -> vector<16xi32>
      %eq3A_181 = arith.constant 8 : i32
      %eq3A_182 = vector.broadcast %eq3A_181 : i32 to vector<16xi32>
      %eq3A_183 = arith.cmpi eq, %iota3A, %eq3A_182 : vector<16xi32>
      %select_n3A_184 = arith.select %eq3A_183, %all_reduce_ffs3A_180, %select_n3A_167 : vector<16xi1>, vector<16xi32>
      %add3A_185 = arith.constant 9 : i32
      %add3A_186 = arith.addi %mul3A_33, %add3A_185 : i32
      %mul3A_187 = arith.constant 16 : i32
      %mul3A_188 = arith.muli %add3A_186, %mul3A_187 : i32
      %get3A_189 = arith.index_cast %mul3A_188 : i32 to index
      %get3A_190 = tpu.vector_load %arg6[%get3A_189] {strides = array<i32>} : memref<50176xf32, #tpu.memory_space<vmem>>, vector<16xf32>,
      %reduce_max3A_191 = arith.constant true
      %reduce_max3A_192 = vector.broadcast %reduce_max3A_191 : i1 to vector<16xi1>
      %reduce_max3A_193 = tpu.scan <max>, %get3A_190 masked %reduce_max3A_192 : vector<16xf32>, vector<16xi1> -> vector<16xf32>
      %reduce_max3A_194 = vector.extract %reduce_max3A_193[15] : f32 from vector<16xf32>
      %eq3A_195 = vector.broadcast %reduce_max3A_194 : f32 to vector<16xf32>
      %eq3A_196 = arith.cmpf oeq, %get3A_190, %eq3A_195 : vector<16xf32>
      %all_reduce_ffs3A_197 = tpu.all_reduce %eq3A_196 {dim = 0 : i64, kind = #tpu.reduction_kind<find_first_set>} : vector<16xi1> -> vector<16xi32>
      %eq3A_198 = arith.constant 9 : i32
      %eq3A_199 = vector.broadcast %eq3A_198 : i32 to vector<16xi32>
      %eq3A_200 = arith.cmpi eq, %iota3A, %eq3A_199 : vector<16xi32>
      %select_n3A_201 = arith.select %eq3A_200, %all_reduce_ffs3A_197, %select_n3A_184 : vector<16xi1>, vector<16xi32>
      %add3A_202 = arith.constant 10 : i32
      %add3A_203 = arith.addi %mul3A_33, %add3A_202 : i32
      %mul3A_204 = arith.constant 16 : i32
      %mul3A_205 = arith.muli %add3A_203, %mul3A_204 : i32
      %get3A_206 = arith.index_cast %mul3A_205 : i32 to index
      %get3A_207 = tpu.vector_load %arg6[%get3A_206] {strides = array<i32>} : memref<50176xf32, #tpu.memory_space<vmem>>, vector<16xf32>,
      %reduce_max3A_208 = arith.constant true
      %reduce_max3A_209 = vector.broadcast %reduce_max3A_208 : i1 to vector<16xi1>
      %reduce_max3A_210 = tpu.scan <max>, %get3A_207 masked %reduce_max3A_209 : vector<16xf32>, vector<16xi1> -> vector<16xf32>
      %reduce_max3A_211 = vector.extract %reduce_max3A_210[15] : f32 from vector<16xf32>
      %eq3A_212 = vector.broadcast %reduce_max3A_211 : f32 to vector<16xf32>
      %eq3A_213 = arith.cmpf oeq, %get3A_207, %eq3A_212 : vector<16xf32>
      %all_reduce_ffs3A_214 = tpu.all_reduce %eq3A_213 {dim = 0 : i64, kind = #tpu.reduction_kind<find_first_set>} : vector<16xi1> -> vector<16xi32>
      %eq3A_215 = arith.constant 10 : i32
      %eq3A_216 = vector.broadcast %eq3A_215 : i32 to vector<16xi32>
      %eq3A_217 = arith.cmpi eq, %iota3A, %eq3A_216 : vector<16xi32>
      %select_n3A_218 = arith.select %eq3A_217, %all_reduce_ffs3A_214, %select_n3A_201 : vector<16xi1>, vector<16xi32>
      %add3A_219 = arith.constant 11 : i32
      %add3A_220 = arith.addi %mul3A_33, %add3A_219 : i32
      %mul3A_221 = arith.constant 16 : i32
      %mul3A_222 = arith.muli %add3A_220, %mul3A_221 : i32
      %get3A_223 = arith.index_cast %mul3A_222 : i32 to index
      %get3A_224 = tpu.vector_load %arg6[%get3A_223] {strides = array<i32>} : memref<50176xf32, #tpu.memory_space<vmem>>, vector<16xf32>,
      %reduce_max3A_225 = arith.constant true
      %reduce_max3A_226 = vector.broadcast %reduce_max3A_225 : i1 to vector<16xi1>
      %reduce_max3A_227 = tpu.scan <max>, %get3A_224 masked %reduce_max3A_226 : vector<16xf32>, vector<16xi1> -> vector<16xf32>
      %reduce_max3A_228 = vector.extract %reduce_max3A_227[15] : f32 from vector<16xf32>
      %eq3A_229 = vector.broadcast %reduce_max3A_228 : f32 to vector<16xf32>
      %eq3A_230 = arith.cmpf oeq, %get3A_224, %eq3A_229 : vector<16xf32>
      %all_reduce_ffs3A_231 = tpu.all_reduce %eq3A_230 {dim = 0 : i64, kind = #tpu.reduction_kind<find_first_set>} : vector<16xi1> -> vector<16xi32>
      %eq3A_232 = arith.constant 11 : i32
      %eq3A_233 = vector.broadcast %eq3A_232 : i32 to vector<16xi32>
      %eq3A_234 = arith.cmpi eq, %iota3A, %eq3A_233 : vector<16xi32>
      %select_n3A_235 = arith.select %eq3A_234, %all_reduce_ffs3A_231, %select_n3A_218 : vector<16xi1>, vector<16xi32>
      %add3A_236 = arith.constant 12 : i32
      %add3A_237 = arith.addi %mul3A_33, %add3A_236 : i32
      %mul3A_238 = arith.constant 16 : i32
      %mul3A_239 = arith.muli %add3A_237, %mul3A_238 : i32
      %get3A_240 = arith.index_cast %mul3A_239 : i32 to index
      %get3A_241 = tpu.vector_load %arg6[%get3A_240] {strides = array<i32>} : memref<50176xf32, #tpu.memory_space<vmem>>, vector<16xf32>,
      %reduce_max3A_242 = arith.constant true
      %reduce_max3A_243 = vector.broadcast %reduce_max3A_242 : i1 to vector<16xi1>
      %reduce_max3A_244 = tpu.scan <max>, %get3A_241 masked %reduce_max3A_243 : vector<16xf32>, vector<16xi1> -> vector<16xf32>
      %reduce_max3A_245 = vector.extract %reduce_max3A_244[15] : f32 from vector<16xf32>
      %eq3A_246 = vector.broadcast %reduce_max3A_245 : f32 to vector<16xf32>
      %eq3A_247 = arith.cmpf oeq, %get3A_241, %eq3A_246 : vector<16xf32>
      %all_reduce_ffs3A_248 = tpu.all_reduce %eq3A_247 {dim = 0 : i64, kind = #tpu.reduction_kind<find_first_set>} : vector<16xi1> -> vector<16xi32>
      %eq3A_249 = arith.constant 12 : i32
      %eq3A_250 = vector.broadcast %eq3A_249 : i32 to vector<16xi32>
      %eq3A_251 = arith.cmpi eq, %iota3A, %eq3A_250 : vector<16xi32>
      %select_n3A_252 = arith.select %eq3A_251, %all_reduce_ffs3A_248, %select_n3A_235 : vector<16xi1>, vector<16xi32>
      %add3A_253 = arith.constant 13 : i32
      %add3A_254 = arith.addi %mul3A_33, %add3A_253 : i32
      %mul3A_255 = arith.constant 16 : i32
      %mul3A_256 = arith.muli %add3A_254, %mul3A_255 : i32
      %get3A_257 = arith.index_cast %mul3A_256 : i32 to index
      %get3A_258 = tpu.vector_load %arg6[%get3A_257] {strides = array<i32>} : memref<50176xf32, #tpu.memory_space<vmem>>, vector<16xf32>,
      %reduce_max3A_259 = arith.constant true
      %reduce_max3A_260 = vector.broadcast %reduce_max3A_259 : i1 to vector<16xi1>
      %reduce_max3A_261 = tpu.scan <max>, %get3A_258 masked %reduce_max3A_260 : vector<16xf32>, vector<16xi1> -> vector<16xf32>
      %reduce_max3A_262 = vector.extract %reduce_max3A_261[15] : f32 from vector<16xf32>
      %eq3A_263 = vector.broadcast %reduce_max3A_262 : f32 to vector<16xf32>
      %eq3A_264 = arith.cmpf oeq, %get3A_258, %eq3A_263 : vector<16xf32>
      %all_reduce_ffs3A_265 = tpu.all_reduce %eq3A_264 {dim = 0 : i64, kind = #tpu.reduction_kind<find_first_set>} : vector<16xi1> -> vector<16xi32>
      %eq3A_266 = arith.constant 13 : i32
      %eq3A_267 = vector.broadcast %eq3A_266 : i32 to vector<16xi32>
      %eq3A_268 = arith.cmpi eq, %iota3A, %eq3A_267 : vector<16xi32>
      %select_n3A_269 = arith.select %eq3A_268, %all_reduce_ffs3A_265, %select_n3A_252 : vector<16xi1>, vector<16xi32>
      %add3A_270 = arith.constant 14 : i32
      %add3A_271 = arith.addi %mul3A_33, %add3A_270 : i32
      %mul3A_272 = arith.constant 16 : i32
      %mul3A_273 = arith.muli %add3A_271, %mul3A_272 : i32
      %get3A_274 = arith.index_cast %mul3A_273 : i32 to index
      %get3A_275 = tpu.vector_load %arg6[%get3A_274] {strides = array<i32>} : memref<50176xf32, #tpu.memory_space<vmem>>, vector<16xf32>,
      %reduce_max3A_276 = arith.constant true
      %reduce_max3A_277 = vector.broadcast %reduce_max3A_276 : i1 to vector<16xi1>
      %reduce_max3A_278 = tpu.scan <max>, %get3A_275 masked %reduce_max3A_277 : vector<16xf32>, vector<16xi1> -> vector<16xf32>
      %reduce_max3A_279 = vector.extract %reduce_max3A_278[15] : f32 from vector<16xf32>
      %eq3A_280 = vector.broadcast %reduce_max3A_279 : f32 to vector<16xf32>
      %eq3A_281 = arith.cmpf oeq, %get3A_275, %eq3A_280 : vector<16xf32>
      %all_reduce_ffs3A_282 = tpu.all_reduce %eq3A_281 {dim = 0 : i64, kind = #tpu.reduction_kind<find_first_set>} : vector<16xi1> -> vector<16xi32>
      %eq3A_283 = arith.constant 14 : i32
      %eq3A_284 = vector.broadcast %eq3A_283 : i32 to vector<16xi32>
      %eq3A_285 = arith.cmpi eq, %iota3A, %eq3A_284 : vector<16xi32>
      %select_n3A_286 = arith.select %eq3A_285, %all_reduce_ffs3A_282, %select_n3A_269 : vector<16xi1>, vector<16xi32>
      %add3A_287 = arith.constant 15 : i32
      %add3A_288 = arith.addi %mul3A_33, %add3A_287 : i32
      %mul3A_289 = arith.constant 16 : i32
      %mul3A_290 = arith.muli %add3A_288, %mul3A_289 : i32
      %get3A_291 = arith.index_cast %mul3A_290 : i32 to index
      %get3A_292 = tpu.vector_load %arg6[%get3A_291] {strides = array<i32>} : memref<50176xf32, #tpu.memory_space<vmem>>, vector<16xf32>,
      %reduce_max3A_293 = arith.constant true
      %reduce_max3A_294 = vector.broadcast %reduce_max3A_293 : i1 to vector<16xi1>
      %reduce_max3A_295 = tpu.scan <max>, %get3A_292 masked %reduce_max3A_294 : vector<16xf32>, vector<16xi1> -> vector<16xf32>
      %reduce_max3A_296 = vector.extract %reduce_max3A_295[15] : f32 from vector<16xf32>
      %eq3A_297 = vector.broadcast %reduce_max3A_296 : f32 to vector<16xf32>
      %eq3A_298 = arith.cmpf oeq, %get3A_292, %eq3A_297 : vector<16xf32>
      %all_reduce_ffs3A_299 = tpu.all_reduce %eq3A_298 {dim = 0 : i64, kind = #tpu.reduction_kind<find_first_set>} : vector<16xi1> -> vector<16xi32>
      %eq3A_300 = arith.constant 15 : i32
      %eq3A_301 = vector.broadcast %eq3A_300 : i32 to vector<16xi32>
      %eq3A_302 = arith.cmpi eq, %iota3A, %eq3A_301 : vector<16xi32>
      %select_n3A_303 = arith.select %eq3A_302, %all_reduce_ffs3A_299, %select_n3A_286 : vector<16xi1>, vector<16xi32>
      %slice3A = vector.extract_strided_slice %select_n3A_303 {offsets = [0], sizes = [1], strides = [1]} : vector<16xi32> to vector<1xi32>
      %squeeze3A = vector.extract %slice3A[0] : i32 from vector<1xi32>
      %mul3A_304 = arith.constant 16 : i32
      %mul3A_305 = arith.muli %while3A_31, %mul3A_304 : i32
      %add3A_306 = arith.addi %mul3A_8, %mul3A_305 : i32
      %add3A_307 = arith.constant 0 : i32
      %add3A_308 = arith.addi %add3A_306, %add3A_307 : i32
      %dma_start3A = arith.constant 0 : i32
      %dma_start3A_309 = tpu.memref_slice %arg5[%squeeze3A, %dma_start3A] : memref<16x1024xf32, #tpu.memory_space<vmem>> -> memref<1x1024xf32, #tpu.memory_space<vmem>>
      %dma_start3A_310 = tpu.memref_squeeze %dma_start3A_309 : memref<1x1024xf32, #tpu.memory_space<vmem>> -> memref<1024xf32, #tpu.memory_space<vmem>>
      %dma_start3A_311 = arith.constant 0 : i32
      %dma_start3A_312 = tpu.memref_slice %arg4[%add3A_308, %dma_start3A_311] : memref<100000x1024xf32, #tpu.memory_space<hbm>> -> memref<1x1024xf32, #tpu.memory_space<hbm>>
      %dma_start3A_313 = tpu.memref_squeeze %dma_start3A_312 : memref<1x1024xf32, #tpu.memory_space<hbm>> -> memref<1024xf32, #tpu.memory_space<hbm>>
      %dma_start3A_314 = arith.constant 0 : i32
      %dma_start3A_315 = tpu.memref_slice %arg4[%add3A_308, %dma_start3A_314] : memref<100000x1024xf32, #tpu.memory_space<hbm>> -> memref<1x1024xf32, #tpu.memory_space<hbm>>
      %dma_start3A_316 = tpu.memref_squeeze %dma_start3A_315 : memref<1x1024xf32, #tpu.memory_space<hbm>> -> memref<1024xf32, #tpu.memory_space<hbm>>
      %dma_start3A_317 = arith.constant 0 : i32
      %dma_start3A_318 = tpu.memref_slice %arg5[%squeeze3A, %dma_start3A_317] : memref<16x1024xf32, #tpu.memory_space<vmem>> -> memref<1x1024xf32, #tpu.memory_space<vmem>>
      %dma_start3A_319 = tpu.memref_squeeze %dma_start3A_318 : memref<1x1024xf32, #tpu.memory_space<vmem>> -> memref<1024xf32, #tpu.memory_space<vmem>>
      tpu.enqueue_dma source(%dma_start3A_319 : memref<1024xf32, #tpu.memory_space<vmem>>) target(%dma_start3A_316 : memref<1024xf32, #tpu.memory_space<hbm>>) target_semaphore(%arg7 : memref<!tpu.dma_semaphore, #tpu.memory_space<semaphore_mem>>)
      %slice3A_320 = vector.extract_strided_slice %select_n3A_303 {offsets = [1], sizes = [1], strides = [1]} : vector<16xi32> to vector<1xi32>
      %squeeze3A_321 = vector.extract %slice3A_320[0] : i32 from vector<1xi32>
      %mul3A_322 = arith.constant 16 : i32
      %mul3A_323 = arith.muli %while3A_31, %mul3A_322 : i32
      %add3A_324 = arith.addi %mul3A_8, %mul3A_323 : i32
      %add3A_325 = arith.constant 1 : i32
      %add3A_326 = arith.addi %add3A_324, %add3A_325 : i32
      %dma_start3A_327 = arith.constant 0 : i32
      %dma_start3A_328 = tpu.memref_slice %arg5[%squeeze3A_321, %dma_start3A_327] : memref<16x1024xf32, #tpu.memory_space<vmem>> -> memref<1x1024xf32, #tpu.memory_space<vmem>>
      %dma_start3A_329 = tpu.memref_squeeze %dma_start3A_328 : memref<1x1024xf32, #tpu.memory_space<vmem>> -> memref<1024xf32, #tpu.memory_space<vmem>>
      %dma_start3A_330 = arith.constant 0 : i32
      %dma_start3A_331 = tpu.memref_slice %arg4[%add3A_326, %dma_start3A_330] : memref<100000x1024xf32, #tpu.memory_space<hbm>> -> memref<1x1024xf32, #tpu.memory_space<hbm>>
      %dma_start3A_332 = tpu.memref_squeeze %dma_start3A_331 : memref<1x1024xf32, #tpu.memory_space<hbm>> -> memref<1024xf32, #tpu.memory_space<hbm>>
      %dma_start3A_333 = arith.constant 0 : i32
      %dma_start3A_334 = tpu.memref_slice %arg4[%add3A_326, %dma_start3A_333] : memref<100000x1024xf32, #tpu.memory_space<hbm>> -> memref<1x1024xf32, #tpu.memory_space<hbm>>
      %dma_start3A_335 = tpu.memref_squeeze %dma_start3A_334 : memref<1x1024xf32, #tpu.memory_space<hbm>> -> memref<1024xf32, #tpu.memory_space<hbm>>
      %dma_start3A_336 = arith.constant 0 : i32
      %dma_start3A_337 = tpu.memref_slice %arg5[%squeeze3A_321, %dma_start3A_336] : memref<16x1024xf32, #tpu.memory_space<vmem>> -> memref<1x1024xf32, #tpu.memory_space<vmem>>
      %dma_start3A_338 = tpu.memref_squeeze %dma_start3A_337 : memref<1x1024xf32, #tpu.memory_space<vmem>> -> memref<1024xf32, #tpu.memory_space<vmem>>
      tpu.enqueue_dma source(%dma_start3A_338 : memref<1024xf32, #tpu.memory_space<vmem>>) target(%dma_start3A_335 : memref<1024xf32, #tpu.memory_space<hbm>>) target_semaphore(%arg7 : memref<!tpu.dma_semaphore, #tpu.memory_space<semaphore_mem>>)
      %slice3A_339 = vector.extract_strided_slice %select_n3A_303 {offsets = [2], sizes = [1], strides = [1]} : vector<16xi32> to vector<1xi32>
      %squeeze3A_340 = vector.extract %slice3A_339[0] : i32 from vector<1xi32>
      %mul3A_341 = arith.constant 16 : i32
      %mul3A_342 = arith.muli %while3A_31, %mul3A_341 : i32
      %add3A_343 = arith.addi %mul3A_8, %mul3A_342 : i32
      %add3A_344 = arith.constant 2 : i32
      %add3A_345 = arith.addi %add3A_343, %add3A_344 : i32
      %dma_start3A_346 = arith.constant 0 : i32
      %dma_start3A_347 = tpu.memref_slice %arg5[%squeeze3A_340, %dma_start3A_346] : memref<16x1024xf32, #tpu.memory_space<vmem>> -> memref<1x1024xf32, #tpu.memory_space<vmem>>
      %dma_start3A_348 = tpu.memref_squeeze %dma_start3A_347 : memref<1x1024xf32, #tpu.memory_space<vmem>> -> memref<1024xf32, #tpu.memory_space<vmem>>
      %dma_start3A_349 = arith.constant 0 : i32
      %dma_start3A_350 = tpu.memref_slice %arg4[%add3A_345, %dma_start3A_349] : memref<100000x1024xf32, #tpu.memory_space<hbm>> -> memref<1x1024xf32, #tpu.memory_space<hbm>>
      %dma_start3A_351 = tpu.memref_squeeze %dma_start3A_350 : memref<1x1024xf32, #tpu.memory_space<hbm>> -> memref<1024xf32, #tpu.memory_space<hbm>>
      %dma_start3A_352 = arith.constant 0 : i32
      %dma_start3A_353 = tpu.memref_slice %arg4[%add3A_345, %dma_start3A_352] : memref<100000x1024xf32, #tpu.memory_space<hbm>> -> memref<1x1024xf32, #tpu.memory_space<hbm>>
      %dma_start3A_354 = tpu.memref_squeeze %dma_start3A_353 : memref<1x1024xf32, #tpu.memory_space<hbm>> -> memref<1024xf32, #tpu.memory_space<hbm>>
      %dma_start3A_355 = arith.constant 0 : i32
      %dma_start3A_356 = tpu.memref_slice %arg5[%squeeze3A_340, %dma_start3A_355] : memref<16x1024xf32, #tpu.memory_space<vmem>> -> memref<1x1024xf32, #tpu.memory_space<vmem>>
      %dma_start3A_357 = tpu.memref_squeeze %dma_start3A_356 : memref<1x1024xf32, #tpu.memory_space<vmem>> -> memref<1024xf32, #tpu.memory_space<vmem>>
      tpu.enqueue_dma source(%dma_start3A_357 : memref<1024xf32, #tpu.memory_space<vmem>>) target(%dma_start3A_354 : memref<1024xf32, #tpu.memory_space<hbm>>) target_semaphore(%arg7 : memref<!tpu.dma_semaphore, #tpu.memory_space<semaphore_mem>>)
      %slice3A_358 = vector.extract_strided_slice %select_n3A_303 {offsets = [3], sizes = [1], strides = [1]} : vector<16xi32> to vector<1xi32>
      %squeeze3A_359 = vector.extract %slice3A_358[0] : i32 from vector<1xi32>
      %mul3A_360 = arith.constant 16 : i32
      %mul3A_361 = arith.muli %while3A_31, %mul3A_360 : i32
      %add3A_362 = arith.addi %mul3A_8, %mul3A_361 : i32
      %add3A_363 = arith.constant 3 : i32
      %add3A_364 = arith.addi %add3A_362, %add3A_363 : i32
      %dma_start3A_365 = arith.constant 0 : i32
      %dma_start3A_366 = tpu.memref_slice %arg5[%squeeze3A_359, %dma_start3A_365] : memref<16x1024xf32, #tpu.memory_space<vmem>> -> memref<1x1024xf32, #tpu.memory_space<vmem>>
      %dma_start3A_367 = tpu.memref_squeeze %dma_start3A_366 : memref<1x1024xf32, #tpu.memory_space<vmem>> -> memref<1024xf32, #tpu.memory_space<vmem>>
      %dma_start3A_368 = arith.constant 0 : i32
      %dma_start3A_369 = tpu.memref_slice %arg4[%add3A_364, %dma_start3A_368] : memref<100000x1024xf32, #tpu.memory_space<hbm>> -> memref<1x1024xf32, #tpu.memory_space<hbm>>
      %dma_start3A_370 = tpu.memref_squeeze %dma_start3A_369 : memref<1x1024xf32, #tpu.memory_space<hbm>> -> memref<1024xf32, #tpu.memory_space<hbm>>
      %dma_start3A_371 = arith.constant 0 : i32
      %dma_start3A_372 = tpu.memref_slice %arg4[%add3A_364, %dma_start3A_371] : memref<100000x1024xf32, #tpu.memory_space<hbm>> -> memref<1x1024xf32, #tpu.memory_space<hbm>>
      %dma_start3A_373 = tpu.memref_squeeze %dma_start3A_372 : memref<1x1024xf32, #tpu.memory_space<hbm>> -> memref<1024xf32, #tpu.memory_space<hbm>>
      %dma_start3A_374 = arith.constant 0 : i32
      %dma_start3A_375 = tpu.memref_slice %arg5[%squeeze3A_359, %dma_start3A_374] : memref<16x1024xf32, #tpu.memory_space<vmem>> -> memref<1x1024xf32, #tpu.memory_space<vmem>>
      %dma_start3A_376 = tpu.memref_squeeze %dma_start3A_375 : memref<1x1024xf32, #tpu.memory_space<vmem>> -> memref<1024xf32, #tpu.memory_space<vmem>>
      tpu.enqueue_dma source(%dma_start3A_376 : memref<1024xf32, #tpu.memory_space<vmem>>) target(%dma_start3A_373 : memref<1024xf32, #tpu.memory_space<hbm>>) target_semaphore(%arg7 : memref<!tpu.dma_semaphore, #tpu.memory_space<semaphore_mem>>)
      %slice3A_377 = vector.extract_strided_slice %select_n3A_303 {offsets = [4], sizes = [1], strides = [1]} : vector<16xi32> to vector<1xi32>
      %squeeze3A_378 = vector.extract %slice3A_377[0] : i32 from vector<1xi32>
      %mul3A_379 = arith.constant 16 : i32
      %mul3A_380 = arith.muli %while3A_31, %mul3A_379 : i32
      %add3A_381 = arith.addi %mul3A_8, %mul3A_380 : i32
      %add3A_382 = arith.constant 4 : i32
      %add3A_383 = arith.addi %add3A_381, %add3A_382 : i32
      %dma_start3A_384 = arith.constant 0 : i32
      %dma_start3A_385 = tpu.memref_slice %arg5[%squeeze3A_378, %dma_start3A_384] : memref<16x1024xf32, #tpu.memory_space<vmem>> -> memref<1x1024xf32, #tpu.memory_space<vmem>>
      %dma_start3A_386 = tpu.memref_squeeze %dma_start3A_385 : memref<1x1024xf32, #tpu.memory_space<vmem>> -> memref<1024xf32, #tpu.memory_space<vmem>>
      %dma_start3A_387 = arith.constant 0 : i32
      %dma_start3A_388 = tpu.memref_slice %arg4[%add3A_383, %dma_start3A_387] : memref<100000x1024xf32, #tpu.memory_space<hbm>> -> memref<1x1024xf32, #tpu.memory_space<hbm>>
      %dma_start3A_389 = tpu.memref_squeeze %dma_start3A_388 : memref<1x1024xf32, #tpu.memory_space<hbm>> -> memref<1024xf32, #tpu.memory_space<hbm>>
      %dma_start3A_390 = arith.constant 0 : i32
      %dma_start3A_391 = tpu.memref_slice %arg4[%add3A_383, %dma_start3A_390] : memref<100000x1024xf32, #tpu.memory_space<hbm>> -> memref<1x1024xf32, #tpu.memory_space<hbm>>
      %dma_start3A_392 = tpu.memref_squeeze %dma_start3A_391 : memref<1x1024xf32, #tpu.memory_space<hbm>> -> memref<1024xf32, #tpu.memory_space<hbm>>
      %dma_start3A_393 = arith.constant 0 : i32
      %dma_start3A_394 = tpu.memref_slice %arg5[%squeeze3A_378, %dma_start3A_393] : memref<16x1024xf32, #tpu.memory_space<vmem>> -> memref<1x1024xf32, #tpu.memory_space<vmem>>
      %dma_start3A_395 = tpu.memref_squeeze %dma_start3A_394 : memref<1x1024xf32, #tpu.memory_space<vmem>> -> memref<1024xf32, #tpu.memory_space<vmem>>
      tpu.enqueue_dma source(%dma_start3A_395 : memref<1024xf32, #tpu.memory_space<vmem>>) target(%dma_start3A_392 : memref<1024xf32, #tpu.memory_space<hbm>>) target_semaphore(%arg7 : memref<!tpu.dma_semaphore, #tpu.memory_space<semaphore_mem>>)
      %slice3A_396 = vector.extract_strided_slice %select_n3A_303 {offsets = [5], sizes = [1], strides = [1]} : vector<16xi32> to vector<1xi32>
      %squeeze3A_397 = vector.extract %slice3A_396[0] : i32 from vector<1xi32>
      %mul3A_398 = arith.constant 16 : i32
      %mul3A_399 = arith.muli %while3A_31, %mul3A_398 : i32
      %add3A_400 = arith.addi %mul3A_8, %mul3A_399 : i32
      %add3A_401 = arith.constant 5 : i32
      %add3A_402 = arith.addi %add3A_400, %add3A_401 : i32
      %dma_start3A_403 = arith.constant 0 : i32
      %dma_start3A_404 = tpu.memref_slice %arg5[%squeeze3A_397, %dma_start3A_403] : memref<16x1024xf32, #tpu.memory_space<vmem>> -> memref<1x1024xf32, #tpu.memory_space<vmem>>
      %dma_start3A_405 = tpu.memref_squeeze %dma_start3A_404 : memref<1x1024xf32, #tpu.memory_space<vmem>> -> memref<1024xf32, #tpu.memory_space<vmem>>
      %dma_start3A_406 = arith.constant 0 : i32
      %dma_start3A_407 = tpu.memref_slice %arg4[%add3A_402, %dma_start3A_406] : memref<100000x1024xf32, #tpu.memory_space<hbm>> -> memref<1x1024xf32, #tpu.memory_space<hbm>>
      %dma_start3A_408 = tpu.memref_squeeze %dma_start3A_407 : memref<1x1024xf32, #tpu.memory_space<hbm>> -> memref<1024xf32, #tpu.memory_space<hbm>>
      %dma_start3A_409 = arith.constant 0 : i32
      %dma_start3A_410 = tpu.memref_slice %arg4[%add3A_402, %dma_start3A_409] : memref<100000x1024xf32, #tpu.memory_space<hbm>> -> memref<1x1024xf32, #tpu.memory_space<hbm>>
      %dma_start3A_411 = tpu.memref_squeeze %dma_start3A_410 : memref<1x1024xf32, #tpu.memory_space<hbm>> -> memref<1024xf32, #tpu.memory_space<hbm>>
      %dma_start3A_412 = arith.constant 0 : i32
      %dma_start3A_413 = tpu.memref_slice %arg5[%squeeze3A_397, %dma_start3A_412] : memref<16x1024xf32, #tpu.memory_space<vmem>> -> memref<1x1024xf32, #tpu.memory_space<vmem>>
      %dma_start3A_414 = tpu.memref_squeeze %dma_start3A_413 : memref<1x1024xf32, #tpu.memory_space<vmem>> -> memref<1024xf32, #tpu.memory_space<vmem>>
      tpu.enqueue_dma source(%dma_start3A_414 : memref<1024xf32, #tpu.memory_space<vmem>>) target(%dma_start3A_411 : memref<1024xf32, #tpu.memory_space<hbm>>) target_semaphore(%arg7 : memref<!tpu.dma_semaphore, #tpu.memory_space<semaphore_mem>>)
      %slice3A_415 = vector.extract_strided_slice %select_n3A_303 {offsets = [6], sizes = [1], strides = [1]} : vector<16xi32> to vector<1xi32>
      %squeeze3A_416 = vector.extract %slice3A_415[0] : i32 from vector<1xi32>
      %mul3A_417 = arith.constant 16 : i32
      %mul3A_418 = arith.muli %while3A_31, %mul3A_417 : i32
      %add3A_419 = arith.addi %mul3A_8, %mul3A_418 : i32
      %add3A_420 = arith.constant 6 : i32
      %add3A_421 = arith.addi %add3A_419, %add3A_420 : i32
      %dma_start3A_422 = arith.constant 0 : i32
      %dma_start3A_423 = tpu.memref_slice %arg5[%squeeze3A_416, %dma_start3A_422] : memref<16x1024xf32, #tpu.memory_space<vmem>> -> memref<1x1024xf32, #tpu.memory_space<vmem>>
      %dma_start3A_424 = tpu.memref_squeeze %dma_start3A_423 : memref<1x1024xf32, #tpu.memory_space<vmem>> -> memref<1024xf32, #tpu.memory_space<vmem>>
      %dma_start3A_425 = arith.constant 0 : i32
      %dma_start3A_426 = tpu.memref_slice %arg4[%add3A_421, %dma_start3A_425] : memref<100000x1024xf32, #tpu.memory_space<hbm>> -> memref<1x1024xf32, #tpu.memory_space<hbm>>
      %dma_start3A_427 = tpu.memref_squeeze %dma_start3A_426 : memref<1x1024xf32, #tpu.memory_space<hbm>> -> memref<1024xf32, #tpu.memory_space<hbm>>
      %dma_start3A_428 = arith.constant 0 : i32
      %dma_start3A_429 = tpu.memref_slice %arg4[%add3A_421, %dma_start3A_428] : memref<100000x1024xf32, #tpu.memory_space<hbm>> -> memref<1x1024xf32, #tpu.memory_space<hbm>>
      %dma_start3A_430 = tpu.memref_squeeze %dma_start3A_429 : memref<1x1024xf32, #tpu.memory_space<hbm>> -> memref<1024xf32, #tpu.memory_space<hbm>>
      %dma_start3A_431 = arith.constant 0 : i32
      %dma_start3A_432 = tpu.memref_slice %arg5[%squeeze3A_416, %dma_start3A_431] : memref<16x1024xf32, #tpu.memory_space<vmem>> -> memref<1x1024xf32, #tpu.memory_space<vmem>>
      %dma_start3A_433 = tpu.memref_squeeze %dma_start3A_432 : memref<1x1024xf32, #tpu.memory_space<vmem>> -> memref<1024xf32, #tpu.memory_space<vmem>>
      tpu.enqueue_dma source(%dma_start3A_433 : memref<1024xf32, #tpu.memory_space<vmem>>) target(%dma_start3A_430 : memref<1024xf32, #tpu.memory_space<hbm>>) target_semaphore(%arg7 : memref<!tpu.dma_semaphore, #tpu.memory_space<semaphore_mem>>)
      %slice3A_434 = vector.extract_strided_slice %select_n3A_303 {offsets = [7], sizes = [1], strides = [1]} : vector<16xi32> to vector<1xi32>
      %squeeze3A_435 = vector.extract %slice3A_434[0] : i32 from vector<1xi32>
      %mul3A_436 = arith.constant 16 : i32
      %mul3A_437 = arith.muli %while3A_31, %mul3A_436 : i32
      %add3A_438 = arith.addi %mul3A_8, %mul3A_437 : i32
      %add3A_439 = arith.constant 7 : i32
      %add3A_440 = arith.addi %add3A_438, %add3A_439 : i32
      %dma_start3A_441 = arith.constant 0 : i32
      %dma_start3A_442 = tpu.memref_slice %arg5[%squeeze3A_435, %dma_start3A_441] : memref<16x1024xf32, #tpu.memory_space<vmem>> -> memref<1x1024xf32, #tpu.memory_space<vmem>>
      %dma_start3A_443 = tpu.memref_squeeze %dma_start3A_442 : memref<1x1024xf32, #tpu.memory_space<vmem>> -> memref<1024xf32, #tpu.memory_space<vmem>>
      %dma_start3A_444 = arith.constant 0 : i32
      %dma_start3A_445 = tpu.memref_slice %arg4[%add3A_440, %dma_start3A_444] : memref<100000x1024xf32, #tpu.memory_space<hbm>> -> memref<1x1024xf32, #tpu.memory_space<hbm>>
      %dma_start3A_446 = tpu.memref_squeeze %dma_start3A_445 : memref<1x1024xf32, #tpu.memory_space<hbm>> -> memref<1024xf32, #tpu.memory_space<hbm>>
      %dma_start3A_447 = arith.constant 0 : i32
      %dma_start3A_448 = tpu.memref_slice %arg4[%add3A_440, %dma_start3A_447] : memref<100000x1024xf32, #tpu.memory_space<hbm>> -> memref<1x1024xf32, #tpu.memory_space<hbm>>
      %dma_start3A_449 = tpu.memref_squeeze %dma_start3A_448 : memref<1x1024xf32, #tpu.memory_space<hbm>> -> memref<1024xf32, #tpu.memory_space<hbm>>
      %dma_start3A_450 = arith.constant 0 : i32
      %dma_start3A_451 = tpu.memref_slice %arg5[%squeeze3A_435, %dma_start3A_450] : memref<16x1024xf32, #tpu.memory_space<vmem>> -> memref<1x1024xf32, #tpu.memory_space<vmem>>
      %dma_start3A_452 = tpu.memref_squeeze %dma_start3A_451 : memref<1x1024xf32, #tpu.memory_space<vmem>> -> memref<1024xf32, #tpu.memory_space<vmem>>
      tpu.enqueue_dma source(%dma_start3A_452 : memref<1024xf32, #tpu.memory_space<vmem>>) target(%dma_start3A_449 : memref<1024xf32, #tpu.memory_space<hbm>>) target_semaphore(%arg7 : memref<!tpu.dma_semaphore, #tpu.memory_space<semaphore_mem>>)
      %slice3A_453 = vector.extract_strided_slice %select_n3A_303 {offsets = [8], sizes = [1], strides = [1]} : vector<16xi32> to vector<1xi32>
      %squeeze3A_454 = vector.extract %slice3A_453[0] : i32 from vector<1xi32>
      %mul3A_455 = arith.constant 16 : i32
      %mul3A_456 = arith.muli %while3A_31, %mul3A_455 : i32
      %add3A_457 = arith.addi %mul3A_8, %mul3A_456 : i32
      %add3A_458 = arith.constant 8 : i32
      %add3A_459 = arith.addi %add3A_457, %add3A_458 : i32
      %dma_start3A_460 = arith.constant 0 : i32
      %dma_start3A_461 = tpu.memref_slice %arg5[%squeeze3A_454, %dma_start3A_460] : memref<16x1024xf32, #tpu.memory_space<vmem>> -> memref<1x1024xf32, #tpu.memory_space<vmem>>
      %dma_start3A_462 = tpu.memref_squeeze %dma_start3A_461 : memref<1x1024xf32, #tpu.memory_space<vmem>> -> memref<1024xf32, #tpu.memory_space<vmem>>
      %dma_start3A_463 = arith.constant 0 : i32
      %dma_start3A_464 = tpu.memref_slice %arg4[%add3A_459, %dma_start3A_463] : memref<100000x1024xf32, #tpu.memory_space<hbm>> -> memref<1x1024xf32, #tpu.memory_space<hbm>>
      %dma_start3A_465 = tpu.memref_squeeze %dma_start3A_464 : memref<1x1024xf32, #tpu.memory_space<hbm>> -> memref<1024xf32, #tpu.memory_space<hbm>>
      %dma_start3A_466 = arith.constant 0 : i32
      %dma_start3A_467 = tpu.memref_slice %arg4[%add3A_459, %dma_start3A_466] : memref<100000x1024xf32, #tpu.memory_space<hbm>> -> memref<1x1024xf32, #tpu.memory_space<hbm>>
      %dma_start3A_468 = tpu.memref_squeeze %dma_start3A_467 : memref<1x1024xf32, #tpu.memory_space<hbm>> -> memref<1024xf32, #tpu.memory_space<hbm>>
      %dma_start3A_469 = arith.constant 0 : i32
      %dma_start3A_470 = tpu.memref_slice %arg5[%squeeze3A_454, %dma_start3A_469] : memref<16x1024xf32, #tpu.memory_space<vmem>> -> memref<1x1024xf32, #tpu.memory_space<vmem>>
      %dma_start3A_471 = tpu.memref_squeeze %dma_start3A_470 : memref<1x1024xf32, #tpu.memory_space<vmem>> -> memref<1024xf32, #tpu.memory_space<vmem>>
      tpu.enqueue_dma source(%dma_start3A_471 : memref<1024xf32, #tpu.memory_space<vmem>>) target(%dma_start3A_468 : memref<1024xf32, #tpu.memory_space<hbm>>) target_semaphore(%arg7 : memref<!tpu.dma_semaphore, #tpu.memory_space<semaphore_mem>>)
      %slice3A_472 = vector.extract_strided_slice %select_n3A_303 {offsets = [9], sizes = [1], strides = [1]} : vector<16xi32> to vector<1xi32>
      %squeeze3A_473 = vector.extract %slice3A_472[0] : i32 from vector<1xi32>
      %mul3A_474 = arith.constant 16 : i32
      %mul3A_475 = arith.muli %while3A_31, %mul3A_474 : i32
      %add3A_476 = arith.addi %mul3A_8, %mul3A_475 : i32
      %add3A_477 = arith.constant 9 : i32
      %add3A_478 = arith.addi %add3A_476, %add3A_477 : i32
      %dma_start3A_479 = arith.constant 0 : i32
      %dma_start3A_480 = tpu.memref_slice %arg5[%squeeze3A_473, %dma_start3A_479] : memref<16x1024xf32, #tpu.memory_space<vmem>> -> memref<1x1024xf32, #tpu.memory_space<vmem>>
      %dma_start3A_481 = tpu.memref_squeeze %dma_start3A_480 : memref<1x1024xf32, #tpu.memory_space<vmem>> -> memref<1024xf32, #tpu.memory_space<vmem>>
      %dma_start3A_482 = arith.constant 0 : i32
      %dma_start3A_483 = tpu.memref_slice %arg4[%add3A_478, %dma_start3A_482] : memref<100000x1024xf32, #tpu.memory_space<hbm>> -> memref<1x1024xf32, #tpu.memory_space<hbm>>
      %dma_start3A_484 = tpu.memref_squeeze %dma_start3A_483 : memref<1x1024xf32, #tpu.memory_space<hbm>> -> memref<1024xf32, #tpu.memory_space<hbm>>
      %dma_start3A_485 = arith.constant 0 : i32
      %dma_start3A_486 = tpu.memref_slice %arg4[%add3A_478, %dma_start3A_485] : memref<100000x1024xf32, #tpu.memory_space<hbm>> -> memref<1x1024xf32, #tpu.memory_space<hbm>>
      %dma_start3A_487 = tpu.memref_squeeze %dma_start3A_486 : memref<1x1024xf32, #tpu.memory_space<hbm>> -> memref<1024xf32, #tpu.memory_space<hbm>>
      %dma_start3A_488 = arith.constant 0 : i32
      %dma_start3A_489 = tpu.memref_slice %arg5[%squeeze3A_473, %dma_start3A_488] : memref<16x1024xf32, #tpu.memory_space<vmem>> -> memref<1x1024xf32, #tpu.memory_space<vmem>>
      %dma_start3A_490 = tpu.memref_squeeze %dma_start3A_489 : memref<1x1024xf32, #tpu.memory_space<vmem>> -> memref<1024xf32, #tpu.memory_space<vmem>>
      tpu.enqueue_dma source(%dma_start3A_490 : memref<1024xf32, #tpu.memory_space<vmem>>) target(%dma_start3A_487 : memref<1024xf32, #tpu.memory_space<hbm>>) target_semaphore(%arg7 : memref<!tpu.dma_semaphore, #tpu.memory_space<semaphore_mem>>)
      %slice3A_491 = vector.extract_strided_slice %select_n3A_303 {offsets = [10], sizes = [1], strides = [1]} : vector<16xi32> to vector<1xi32>
      %squeeze3A_492 = vector.extract %slice3A_491[0] : i32 from vector<1xi32>
      %mul3A_493 = arith.constant 16 : i32
      %mul3A_494 = arith.muli %while3A_31, %mul3A_493 : i32
      %add3A_495 = arith.addi %mul3A_8, %mul3A_494 : i32
      %add3A_496 = arith.constant 10 : i32
      %add3A_497 = arith.addi %add3A_495, %add3A_496 : i32
      %dma_start3A_498 = arith.constant 0 : i32
      %dma_start3A_499 = tpu.memref_slice %arg5[%squeeze3A_492, %dma_start3A_498] : memref<16x1024xf32, #tpu.memory_space<vmem>> -> memref<1x1024xf32, #tpu.memory_space<vmem>>
      %dma_start3A_500 = tpu.memref_squeeze %dma_start3A_499 : memref<1x1024xf32, #tpu.memory_space<vmem>> -> memref<1024xf32, #tpu.memory_space<vmem>>
      %dma_start3A_501 = arith.constant 0 : i32
      %dma_start3A_502 = tpu.memref_slice %arg4[%add3A_497, %dma_start3A_501] : memref<100000x1024xf32, #tpu.memory_space<hbm>> -> memref<1x1024xf32, #tpu.memory_space<hbm>>
      %dma_start3A_503 = tpu.memref_squeeze %dma_start3A_502 : memref<1x1024xf32, #tpu.memory_space<hbm>> -> memref<1024xf32, #tpu.memory_space<hbm>>
      %dma_start3A_504 = arith.constant 0 : i32
      %dma_start3A_505 = tpu.memref_slice %arg4[%add3A_497, %dma_start3A_504] : memref<100000x1024xf32, #tpu.memory_space<hbm>> -> memref<1x1024xf32, #tpu.memory_space<hbm>>
      %dma_start3A_506 = tpu.memref_squeeze %dma_start3A_505 : memref<1x1024xf32, #tpu.memory_space<hbm>> -> memref<1024xf32, #tpu.memory_space<hbm>>
      %dma_start3A_507 = arith.constant 0 : i32
      %dma_start3A_508 = tpu.memref_slice %arg5[%squeeze3A_492, %dma_start3A_507] : memref<16x1024xf32, #tpu.memory_space<vmem>> -> memref<1x1024xf32, #tpu.memory_space<vmem>>
      %dma_start3A_509 = tpu.memref_squeeze %dma_start3A_508 : memref<1x1024xf32, #tpu.memory_space<vmem>> -> memref<1024xf32, #tpu.memory_space<vmem>>
      tpu.enqueue_dma source(%dma_start3A_509 : memref<1024xf32, #tpu.memory_space<vmem>>) target(%dma_start3A_506 : memref<1024xf32, #tpu.memory_space<hbm>>) target_semaphore(%arg7 : memref<!tpu.dma_semaphore, #tpu.memory_space<semaphore_mem>>)
      %slice3A_510 = vector.extract_strided_slice %select_n3A_303 {offsets = [11], sizes = [1], strides = [1]} : vector<16xi32> to vector<1xi32>
      %squeeze3A_511 = vector.extract %slice3A_510[0] : i32 from vector<1xi32>
      %mul3A_512 = arith.constant 16 : i32
      %mul3A_513 = arith.muli %while3A_31, %mul3A_512 : i32
      %add3A_514 = arith.addi %mul3A_8, %mul3A_513 : i32
      %add3A_515 = arith.constant 11 : i32
      %add3A_516 = arith.addi %add3A_514, %add3A_515 : i32
      %dma_start3A_517 = arith.constant 0 : i32
      %dma_start3A_518 = tpu.memref_slice %arg5[%squeeze3A_511, %dma_start3A_517] : memref<16x1024xf32, #tpu.memory_space<vmem>> -> memref<1x1024xf32, #tpu.memory_space<vmem>>
      %dma_start3A_519 = tpu.memref_squeeze %dma_start3A_518 : memref<1x1024xf32, #tpu.memory_space<vmem>> -> memref<1024xf32, #tpu.memory_space<vmem>>
      %dma_start3A_520 = arith.constant 0 : i32
      %dma_start3A_521 = tpu.memref_slice %arg4[%add3A_516, %dma_start3A_520] : memref<100000x1024xf32, #tpu.memory_space<hbm>> -> memref<1x1024xf32, #tpu.memory_space<hbm>>
      %dma_start3A_522 = tpu.memref_squeeze %dma_start3A_521 : memref<1x1024xf32, #tpu.memory_space<hbm>> -> memref<1024xf32, #tpu.memory_space<hbm>>
      %dma_start3A_523 = arith.constant 0 : i32
      %dma_start3A_524 = tpu.memref_slice %arg4[%add3A_516, %dma_start3A_523] : memref<100000x1024xf32, #tpu.memory_space<hbm>> -> memref<1x1024xf32, #tpu.memory_space<hbm>>
      %dma_start3A_525 = tpu.memref_squeeze %dma_start3A_524 : memref<1x1024xf32, #tpu.memory_space<hbm>> -> memref<1024xf32, #tpu.memory_space<hbm>>
      %dma_start3A_526 = arith.constant 0 : i32
      %dma_start3A_527 = tpu.memref_slice %arg5[%squeeze3A_511, %dma_start3A_526] : memref<16x1024xf32, #tpu.memory_space<vmem>> -> memref<1x1024xf32, #tpu.memory_space<vmem>>
      %dma_start3A_528 = tpu.memref_squeeze %dma_start3A_527 : memref<1x1024xf32, #tpu.memory_space<vmem>> -> memref<1024xf32, #tpu.memory_space<vmem>>
      tpu.enqueue_dma source(%dma_start3A_528 : memref<1024xf32, #tpu.memory_space<vmem>>) target(%dma_start3A_525 : memref<1024xf32, #tpu.memory_space<hbm>>) target_semaphore(%arg7 : memref<!tpu.dma_semaphore, #tpu.memory_space<semaphore_mem>>)
      %slice3A_529 = vector.extract_strided_slice %select_n3A_303 {offsets = [12], sizes = [1], strides = [1]} : vector<16xi32> to vector<1xi32>
      %squeeze3A_530 = vector.extract %slice3A_529[0] : i32 from vector<1xi32>
      %mul3A_531 = arith.constant 16 : i32
      %mul3A_532 = arith.muli %while3A_31, %mul3A_531 : i32
      %add3A_533 = arith.addi %mul3A_8, %mul3A_532 : i32
      %add3A_534 = arith.constant 12 : i32
      %add3A_535 = arith.addi %add3A_533, %add3A_534 : i32
      %dma_start3A_536 = arith.constant 0 : i32
      %dma_start3A_537 = tpu.memref_slice %arg5[%squeeze3A_530, %dma_start3A_536] : memref<16x1024xf32, #tpu.memory_space<vmem>> -> memref<1x1024xf32, #tpu.memory_space<vmem>>
      %dma_start3A_538 = tpu.memref_squeeze %dma_start3A_537 : memref<1x1024xf32, #tpu.memory_space<vmem>> -> memref<1024xf32, #tpu.memory_space<vmem>>
      %dma_start3A_539 = arith.constant 0 : i32
      %dma_start3A_540 = tpu.memref_slice %arg4[%add3A_535, %dma_start3A_539] : memref<100000x1024xf32, #tpu.memory_space<hbm>> -> memref<1x1024xf32, #tpu.memory_space<hbm>>
      %dma_start3A_541 = tpu.memref_squeeze %dma_start3A_540 : memref<1x1024xf32, #tpu.memory_space<hbm>> -> memref<1024xf32, #tpu.memory_space<hbm>>
      %dma_start3A_542 = arith.constant 0 : i32
      %dma_start3A_543 = tpu.memref_slice %arg4[%add3A_535, %dma_start3A_542] : memref<100000x1024xf32, #tpu.memory_space<hbm>> -> memref<1x1024xf32, #tpu.memory_space<hbm>>
      %dma_start3A_544 = tpu.memref_squeeze %dma_start3A_543 : memref<1x1024xf32, #tpu.memory_space<hbm>> -> memref<1024xf32, #tpu.memory_space<hbm>>
      %dma_start3A_545 = arith.constant 0 : i32
      %dma_start3A_546 = tpu.memref_slice %arg5[%squeeze3A_530, %dma_start3A_545] : memref<16x1024xf32, #tpu.memory_space<vmem>> -> memref<1x1024xf32, #tpu.memory_space<vmem>>
      %dma_start3A_547 = tpu.memref_squeeze %dma_start3A_546 : memref<1x1024xf32, #tpu.memory_space<vmem>> -> memref<1024xf32, #tpu.memory_space<vmem>>
      tpu.enqueue_dma source(%dma_start3A_547 : memref<1024xf32, #tpu.memory_space<vmem>>) target(%dma_start3A_544 : memref<1024xf32, #tpu.memory_space<hbm>>) target_semaphore(%arg7 : memref<!tpu.dma_semaphore, #tpu.memory_space<semaphore_mem>>)
      %slice3A_548 = vector.extract_strided_slice %select_n3A_303 {offsets = [13], sizes = [1], strides = [1]} : vector<16xi32> to vector<1xi32>
      %squeeze3A_549 = vector.extract %slice3A_548[0] : i32 from vector<1xi32>
      %mul3A_550 = arith.constant 16 : i32
      %mul3A_551 = arith.muli %while3A_31, %mul3A_550 : i32
      %add3A_552 = arith.addi %mul3A_8, %mul3A_551 : i32
      %add3A_553 = arith.constant 13 : i32
      %add3A_554 = arith.addi %add3A_552, %add3A_553 : i32
      %dma_start3A_555 = arith.constant 0 : i32
      %dma_start3A_556 = tpu.memref_slice %arg5[%squeeze3A_549, %dma_start3A_555] : memref<16x1024xf32, #tpu.memory_space<vmem>> -> memref<1x1024xf32, #tpu.memory_space<vmem>>
      %dma_start3A_557 = tpu.memref_squeeze %dma_start3A_556 : memref<1x1024xf32, #tpu.memory_space<vmem>> -> memref<1024xf32, #tpu.memory_space<vmem>>
      %dma_start3A_558 = arith.constant 0 : i32
      %dma_start3A_559 = tpu.memref_slice %arg4[%add3A_554, %dma_start3A_558] : memref<100000x1024xf32, #tpu.memory_space<hbm>> -> memref<1x1024xf32, #tpu.memory_space<hbm>>
      %dma_start3A_560 = tpu.memref_squeeze %dma_start3A_559 : memref<1x1024xf32, #tpu.memory_space<hbm>> -> memref<1024xf32, #tpu.memory_space<hbm>>
      %dma_start3A_561 = arith.constant 0 : i32
      %dma_start3A_562 = tpu.memref_slice %arg4[%add3A_554, %dma_start3A_561] : memref<100000x1024xf32, #tpu.memory_space<hbm>> -> memref<1x1024xf32, #tpu.memory_space<hbm>>
      %dma_start3A_563 = tpu.memref_squeeze %dma_start3A_562 : memref<1x1024xf32, #tpu.memory_space<hbm>> -> memref<1024xf32, #tpu.memory_space<hbm>>
      %dma_start3A_564 = arith.constant 0 : i32
      %dma_start3A_565 = tpu.memref_slice %arg5[%squeeze3A_549, %dma_start3A_564] : memref<16x1024xf32, #tpu.memory_space<vmem>> -> memref<1x1024xf32, #tpu.memory_space<vmem>>
      %dma_start3A_566 = tpu.memref_squeeze %dma_start3A_565 : memref<1x1024xf32, #tpu.memory_space<vmem>> -> memref<1024xf32, #tpu.memory_space<vmem>>
      tpu.enqueue_dma source(%dma_start3A_566 : memref<1024xf32, #tpu.memory_space<vmem>>) target(%dma_start3A_563 : memref<1024xf32, #tpu.memory_space<hbm>>) target_semaphore(%arg7 : memref<!tpu.dma_semaphore, #tpu.memory_space<semaphore_mem>>)
      %slice3A_567 = vector.extract_strided_slice %select_n3A_303 {offsets = [14], sizes = [1], strides = [1]} : vector<16xi32> to vector<1xi32>
      %squeeze3A_568 = vector.extract %slice3A_567[0] : i32 from vector<1xi32>
      %mul3A_569 = arith.constant 16 : i32
      %mul3A_570 = arith.muli %while3A_31, %mul3A_569 : i32
      %add3A_571 = arith.addi %mul3A_8, %mul3A_570 : i32
      %add3A_572 = arith.constant 14 : i32
      %add3A_573 = arith.addi %add3A_571, %add3A_572 : i32
      %dma_start3A_574 = arith.constant 0 : i32
      %dma_start3A_575 = tpu.memref_slice %arg5[%squeeze3A_568, %dma_start3A_574] : memref<16x1024xf32, #tpu.memory_space<vmem>> -> memref<1x1024xf32, #tpu.memory_space<vmem>>
      %dma_start3A_576 = tpu.memref_squeeze %dma_start3A_575 : memref<1x1024xf32, #tpu.memory_space<vmem>> -> memref<1024xf32, #tpu.memory_space<vmem>>
      %dma_start3A_577 = arith.constant 0 : i32
      %dma_start3A_578 = tpu.memref_slice %arg4[%add3A_573, %dma_start3A_577] : memref<100000x1024xf32, #tpu.memory_space<hbm>> -> memref<1x1024xf32, #tpu.memory_space<hbm>>
      %dma_start3A_579 = tpu.memref_squeeze %dma_start3A_578 : memref<1x1024xf32, #tpu.memory_space<hbm>> -> memref<1024xf32, #tpu.memory_space<hbm>>
      %dma_start3A_580 = arith.constant 0 : i32
      %dma_start3A_581 = tpu.memref_slice %arg4[%add3A_573, %dma_start3A_580] : memref<100000x1024xf32, #tpu.memory_space<hbm>> -> memref<1x1024xf32, #tpu.memory_space<hbm>>
      %dma_start3A_582 = tpu.memref_squeeze %dma_start3A_581 : memref<1x1024xf32, #tpu.memory_space<hbm>> -> memref<1024xf32, #tpu.memory_space<hbm>>
      %dma_start3A_583 = arith.constant 0 : i32
      %dma_start3A_584 = tpu.memref_slice %arg5[%squeeze3A_568, %dma_start3A_583] : memref<16x1024xf32, #tpu.memory_space<vmem>> -> memref<1x1024xf32, #tpu.memory_space<vmem>>
      %dma_start3A_585 = tpu.memref_squeeze %dma_start3A_584 : memref<1x1024xf32, #tpu.memory_space<vmem>> -> memref<1024xf32, #tpu.memory_space<vmem>>
      tpu.enqueue_dma source(%dma_start3A_585 : memref<1024xf32, #tpu.memory_space<vmem>>) target(%dma_start3A_582 : memref<1024xf32, #tpu.memory_space<hbm>>) target_semaphore(%arg7 : memref<!tpu.dma_semaphore, #tpu.memory_space<semaphore_mem>>)
      %slice3A_586 = vector.extract_strided_slice %select_n3A_303 {offsets = [15], sizes = [1], strides = [1]} : vector<16xi32> to vector<1xi32>
      %squeeze3A_587 = vector.extract %slice3A_586[0] : i32 from vector<1xi32>
      %mul3A_588 = arith.constant 16 : i32
      %mul3A_589 = arith.muli %while3A_31, %mul3A_588 : i32
      %add3A_590 = arith.addi %mul3A_8, %mul3A_589 : i32
      %add3A_591 = arith.constant 15 : i32
      %add3A_592 = arith.addi %add3A_590, %add3A_591 : i32
      %dma_start3A_593 = arith.constant 0 : i32
      %dma_start3A_594 = tpu.memref_slice %arg5[%squeeze3A_587, %dma_start3A_593] : memref<16x1024xf32, #tpu.memory_space<vmem>> -> memref<1x1024xf32, #tpu.memory_space<vmem>>
      %dma_start3A_595 = tpu.memref_squeeze %dma_start3A_594 : memref<1x1024xf32, #tpu.memory_space<vmem>> -> memref<1024xf32, #tpu.memory_space<vmem>>
      %dma_start3A_596 = arith.constant 0 : i32
      %dma_start3A_597 = tpu.memref_slice %arg4[%add3A_592, %dma_start3A_596] : memref<100000x1024xf32, #tpu.memory_space<hbm>> -> memref<1x1024xf32, #tpu.memory_space<hbm>>
      %dma_start3A_598 = tpu.memref_squeeze %dma_start3A_597 : memref<1x1024xf32, #tpu.memory_space<hbm>> -> memref<1024xf32, #tpu.memory_space<hbm>>
      %dma_start3A_599 = arith.constant 0 : i32
      %dma_start3A_600 = tpu.memref_slice %arg4[%add3A_592, %dma_start3A_599] : memref<100000x1024xf32, #tpu.memory_space<hbm>> -> memref<1x1024xf32, #tpu.memory_space<hbm>>
      %dma_start3A_601 = tpu.memref_squeeze %dma_start3A_600 : memref<1x1024xf32, #tpu.memory_space<hbm>> -> memref<1024xf32, #tpu.memory_space<hbm>>
      %dma_start3A_602 = arith.constant 0 : i32
      %dma_start3A_603 = tpu.memref_slice %arg5[%squeeze3A_587, %dma_start3A_602] : memref<16x1024xf32, #tpu.memory_space<vmem>> -> memref<1x1024xf32, #tpu.memory_space<vmem>>
      %dma_start3A_604 = tpu.memref_squeeze %dma_start3A_603 : memref<1x1024xf32, #tpu.memory_space<vmem>> -> memref<1024xf32, #tpu.memory_space<vmem>>
      tpu.enqueue_dma source(%dma_start3A_604 : memref<1024xf32, #tpu.memory_space<vmem>>) target(%dma_start3A_601 : memref<1024xf32, #tpu.memory_space<hbm>>) target_semaphore(%arg7 : memref<!tpu.dma_semaphore, #tpu.memory_space<semaphore_mem>>)
      %ge3A = arith.constant 8 : i32
      %ge3A_605 = arith.cmpi sge, %while3A_31, %ge3A : i32
      %convert_element_type3A_606 = arith.extui %ge3A_605 : i1 to i32
      %cond3A_607 = arith.constant 0 : i32
      %cond3A_608 = arith.cmpi ne, %convert_element_type3A_606, %cond3A_607 : i32
      scf.if %cond3A_608 {
        %scan3A_609 = arith.constant 0 : i32
        %scan3A_610 = arith.constant 0 : i32
        %scan3A_611 = arith.constant 16 : i32
        %scan3A_612 = arith.addi %scan3A_610, %scan3A_611 : i32
        %scan3A_613 = arith.constant 1 : i32
        scf.for %scan3A_615 = %scan3A_610 to %scan3A_612 step %scan3A_613  : i32 {
          %dma_wait3A = arith.constant 0 : i32
          %dma_wait3A_616 = arith.constant 0 : i32
          %dma_wait3A_617 = tpu.memref_slice %arg5[%dma_wait3A, %dma_wait3A_616] : memref<16x1024xf32, #tpu.memory_space<vmem>> -> memref<1x1024xf32, #tpu.memory_space<vmem>>
          %dma_wait3A_618 = tpu.memref_squeeze %dma_wait3A_617 : memref<1x1024xf32, #tpu.memory_space<vmem>> -> memref<1024xf32, #tpu.memory_space<vmem>>
          %dma_wait3A_619 = arith.constant 0 : i32
          %dma_wait3A_620 = tpu.memref_slice %arg4[%mul3A_8, %dma_wait3A_619] : memref<100000x1024xf32, #tpu.memory_space<hbm>> -> memref<1x1024xf32, #tpu.memory_space<hbm>>
          %dma_wait3A_621 = tpu.memref_squeeze %dma_wait3A_620 : memref<1x1024xf32, #tpu.memory_space<hbm>> -> memref<1024xf32, #tpu.memory_space<hbm>>
          %dma_wait3A_622 = arith.constant 0 : i32
          %dma_wait3A_623 = tpu.memref_slice %arg4[%mul3A_8, %dma_wait3A_622] : memref<100000x1024xf32, #tpu.memory_space<hbm>> -> memref<1x1024xf32, #tpu.memory_space<hbm>>
          %dma_wait3A_624 = tpu.memref_squeeze %dma_wait3A_623 : memref<1x1024xf32, #tpu.memory_space<hbm>> -> memref<1024xf32, #tpu.memory_space<hbm>>
          %dma_wait3A_625 = arith.constant 0 : i32
          %dma_wait3A_626 = tpu.memref_slice %arg5[%dma_wait3A, %dma_wait3A_625] : memref<16x1024xf32, #tpu.memory_space<vmem>> -> memref<1x1024xf32, #tpu.memory_space<vmem>>
          %dma_wait3A_627 = tpu.memref_squeeze %dma_wait3A_626 : memref<1x1024xf32, #tpu.memory_space<vmem>> -> memref<1024xf32, #tpu.memory_space<vmem>>
          tpu.wait_dma2 semaphore(%arg7 : memref<!tpu.dma_semaphore, #tpu.memory_space<semaphore_mem>>) src(%dma_wait3A_627 : memref<1024xf32, #tpu.memory_space<vmem>>) dst(%dma_wait3A_624 : memref<1024xf32, #tpu.memory_space<hbm>>)
        }
        %scan3A_614 = arith.constant 16 : i32
      } else {
      }
    }
    %scan3A = arith.constant 0 : i32
    %scan3A_26 = arith.constant 0 : i32
    %scan3A_27 = arith.constant 128 : i32
    %scan3A_28 = arith.addi %scan3A_26, %scan3A_27 : i32
    %scan3A_29 = arith.constant 1 : i32
    scf.for %scan3A_31 = %scan3A_26 to %scan3A_28 step %scan3A_29  : i32 {
      %dma_wait3A = arith.constant 0 : i32
      %dma_wait3A_32 = arith.constant 0 : i32
      %dma_wait3A_33 = tpu.memref_slice %arg5[%dma_wait3A, %dma_wait3A_32] : memref<16x1024xf32, #tpu.memory_space<vmem>> -> memref<1x1024xf32, #tpu.memory_space<vmem>>
      %dma_wait3A_34 = tpu.memref_squeeze %dma_wait3A_33 : memref<1x1024xf32, #tpu.memory_space<vmem>> -> memref<1024xf32, #tpu.memory_space<vmem>>
      %dma_wait3A_35 = arith.constant 0 : i32
      %dma_wait3A_36 = tpu.memref_slice %arg4[%mul3A_8, %dma_wait3A_35] : memref<100000x1024xf32, #tpu.memory_space<hbm>> -> memref<1x1024xf32, #tpu.memory_space<hbm>>
      %dma_wait3A_37 = tpu.memref_squeeze %dma_wait3A_36 : memref<1x1024xf32, #tpu.memory_space<hbm>> -> memref<1024xf32, #tpu.memory_space<hbm>>
      %dma_wait3A_38 = arith.constant 0 : i32
      %dma_wait3A_39 = tpu.memref_slice %arg4[%mul3A_8, %dma_wait3A_38] : memref<100000x1024xf32, #tpu.memory_space<hbm>> -> memref<1x1024xf32, #tpu.memory_space<hbm>>
      %dma_wait3A_40 = tpu.memref_squeeze %dma_wait3A_39 : memref<1x1024xf32, #tpu.memory_space<hbm>> -> memref<1024xf32, #tpu.memory_space<hbm>>
      %dma_wait3A_41 = arith.constant 0 : i32
      %dma_wait3A_42 = tpu.memref_slice %arg5[%dma_wait3A, %dma_wait3A_41] : memref<16x1024xf32, #tpu.memory_space<vmem>> -> memref<1x1024xf32, #tpu.memory_space<vmem>>
      %dma_wait3A_43 = tpu.memref_squeeze %dma_wait3A_42 : memref<1x1024xf32, #tpu.memory_space<vmem>> -> memref<1024xf32, #tpu.memory_space<vmem>>
      tpu.wait_dma2 semaphore(%arg7 : memref<!tpu.dma_semaphore, #tpu.memory_space<semaphore_mem>>) src(%dma_wait3A_43 : memref<1024xf32, #tpu.memory_space<vmem>>) dst(%dma_wait3A_40 : memref<1024xf32, #tpu.memory_space<hbm>>)
    }
    %scan3A_30 = arith.constant 128 : i32
    return
  }
}

</mosaic_0001>

<sc_bundles>
// kernel: btnn_selector_sc.3.cloned.1.call-start
scs
__scs_entry_jumppad:
0x0: {  	(pc) =	sbr.rel $0x88, $3  }
0x1: {  	(tag) =	ssettag $0x0;
	lr =	simm.s32 $0x1  }
0x2: {  	[smem:$0x3F9F] =	sst lr;
	_ =	strace $0xD0000000  }
0x3: {  	_ = 	snop  }
0x4: {  	_ = 	snop  }
0x5: {  	_ = 	snop  }
0x6: {  	_ = 	snop  }
0x7: {  	_ = 	snop  }
__scs_overlays_trampoline_lowered:
0x8: {  	[smem:$0x3FAE] =	sst s0  }
0x9: {  	[smem:$0x3FAF] =	sst s1  }
0xa: {  	[smem:$0x3FB0] =	sst s2  }
0xb: {  	[smem:$0x3FB1] =	sst s3  }
0xc: {  	[smem:$0x3FB2] =	sst s4  }
0xd: {  	[smem:$0x3FB3] =	sst s5  }
0xe: {  	[smem:$0x3FB4] =	sst s6  }
0xf: {  	[smem:$0x3FB5] =	sst s7  }
0x10: {  	[smem:$0x3FB6] =	sst s8  }
0x11: {  	[smem:$0x3FB7] =	sst s9;
	s0 =	simm.s32 @!p0 $0x0  }
0x12: {  	s1 =	sld [smem:$0x3F9D];
	s0 =	simm.s32 @p0 $0x1  }
0x13: {  	[smem:$0x3FB8] =	sst s0;
	s0 =	simm.s32 @!p1 $0x0  }
0x14: {  	s2 =	sld [smem:$0x3F9C];
	s0 =	simm.s32 @p1 $0x1  }
0x15: {  	[smem:$0x3FB9] =	sst s0;
	s0 =	simm.s32 @!p2 $0x0  }
0x16: {  	s3 =	sld [smem:$0x3FDB];
	s0 =	simm.s32 @p2 $0x1  }
0x17: {  	s4 =	simm.s32 $0x1BF5;
	[smem:$0x3FBB] =	sst s0  }
0x18: {  	s0 =	sld [smem:$0x3F9E];
	_ =	swait.ge [sflag:s4], $0x0  }
0x19: {  	s7 =	sld [smem:$0x3F9F]  }
0x1a: {  	s8 =	sadd.s32 $0xFFFFE003, lr  }
0x1b: {  	s9 =	sadd.s32 $0xFFFFFEF7, lr;
	s5 =	simm.s32 $0xFFFFFFFF;
	p2 =	slt.u32 s8, $0xFFFFF086  }
0x1c: {  	p1 =	slt.u32 s9, $0xF7A;
	s5 =	simm.s32 @!p2 $0x0  }
0x1d: {  	s5 =	simm.s32 @p1 $0x1;
	p0 =	seq.s32 s7, s2  }
0x1e: {  	s7 =	smul.u32 @!p0 $0xF7A, s2;
	p2 =	seq.s32 @!p0 s5, $0x0  }
0x1f: {  	s9 =	smul.u32 $0xF7A, s1;
	s8 =	simm.s32 @!p0 $0x1BF5;
	p2 =	por !p2, p0  }
0x20: {  	[sflag:s8] =	ssyncset.s32 @!p0 $0xFFFFF086;
	s6 =	sadd.s32 @!p0 s3, s7;
	s7 =	simm.s32 @!p0 $0x108  }
0x21: {  	s3 =	sadd.s32 s3, s9;
	s6 =	sadd.s32 @!p0 $0x88, s6;
	s7 =	simm.s32 @p2 $0x1082  }
0x22: {  	[simem:s7], [sflag:s8] =	dma.local @!p0 [hbm:s6], $0xF7A  }
0x23: {  	s9 =	sor.u32 $0xD0000000, s2;
	s6 =	simm.s32 $0x108;
	_ =	swait.ge @!p0 [sflag:s8], $0x0  }
0x24: {  	s3 =	sadd.s32 $0x88, s3;
	s6 =	simm.s32 @!p1 $0x1082;
	[sflag:s4] =	ssyncset.s32 $0xFFFFF086  }
0x25: {  	[simem:s6], [sflag:s4] =	dma.local [hbm:s3], $0xF7A  }
0x26: {  	[smem:$0x3F9F] =	sst s1;
	(tag) =	ssettag s2;
	_ =	strace s9  }
0x27: {  	s1 =	sld [smem:$0x3FAF]  }
0x28: {  	s2 =	sld [smem:$0x3FB0]  }
0x29: {  	s4 =	sld [smem:$0x3FB2]  }
0x2a: {  	p0 =	seq.s32 s5, $0x0;
	s5 =	sld [smem:$0x3FB3]  }
0x2b: {  	s6 =	sld [smem:$0x3FB4]  }
0x2c: {  	s7 =	sld [smem:$0x3FB5]  }
0x2d: {  	s3 =	simm.s32 $0x108;
	s8 =	sld [smem:$0x3FB6]  }
0x2e: {  	s3 =	simm.s32 @!p0 $0x1082;
	s9 =	sld [smem:$0x3FB7]  }
0x2f: {  	lr =	sadd.s32 s0, s3;
	s0 =	sld [smem:$0x3FAE]  }
0x30: {  	s3 =	sld [smem:$0x3FB1]  }
0x31: {  	[smem:$0x3FBA] =	sst s10  }
0x32: {  	s10 =	sld [smem:$0x3FB8];
	_ =	sdelay $0x3  }
0x33: {  	p0 =	seq.s32 s10, $0x1;
	s10 =	sld [smem:$0x3FBA];
	_ =	sdelay $0x3  }
0x34: {  	[smem:$0x3FBA] =	sst s10  }
0x35: {  	s10 =	sld [smem:$0x3FB9];
	_ =	sdelay $0x3  }
0x36: {  	p1 =	seq.s32 s10, $0x1;
	s10 =	sld [smem:$0x3FBA];
	_ =	sdelay $0x3  }
0x37: {  	[smem:$0x3FBA] =	sst s10  }
0x38: {  	s10 =	sld [smem:$0x3FBB]  }
0x39: {  	_ = 	snop;
	(pc) =	sbr.ind lr, $3  }
0x3a: {  	_ = 	snop  }
0x3b: {  	_ = 	snop  }
0x3c: {  	p2 =	seq.s32 s10, $0x1;
	s10 =	sld [smem:$0x3FBA]  }
0x3d: {  	_ =	shalt  }
0x3e: {  	_ =	shalt  }
0x3f: {  	_ =	shalt  }
0x40: {  	_ =	shalt  }
0x41: {  	_ =	shalt  }
0x42: {  	_ =	shalt  }
0x43: {  	_ =	shalt  }
0x44: {  	_ =	shalt  }
0x45: {  	_ =	shalt  }
0x46: {  	_ =	shalt  }
0x47: {  	_ =	shalt  }
0x48: {  	_ =	shalt  }
0x49: {  	_ =	shalt  }
0x4a: {  	_ =	shalt  }
0x4b: {  	_ =	shalt  }
0x4c: {  	_ =	shalt  }
0x4d: {  	_ =	shalt  }
0x4e: {  	_ =	shalt  }
0x4f: {  	_ =	shalt  }
0x50: {  	_ =	shalt  }
0x51: {  	_ =	shalt  }
0x52: {  	_ =	shalt  }
0x53: {  	_ =	shalt  }
0x54: {  	_ =	shalt  }
0x55: {  	_ =	shalt  }
0x56: {  	_ =	shalt  }
0x57: {  	_ =	shalt  }
0x58: {  	_ =	shalt  }
0x59: {  	_ =	shalt  }
0x5a: {  	_ =	shalt  }
0x5b: {  	_ =	shalt  }
0x5c: {  	_ =	shalt  }
0x5d: {  	_ =	shalt  }
0x5e: {  	_ =	shalt  }
0x5f: {  	_ =	shalt  }
0x60: {  	_ =	shalt  }
0x61: {  	_ =	shalt  }
0x62: {  	_ =	shalt  }
0x63: {  	_ =	shalt  }
0x64: {  	_ =	shalt  }
0x65: {  	_ =	shalt  }
0x66: {  	_ =	shalt  }
0x67: {  	_ =	shalt  }
0x68: {  	_ =	shalt  }
0x69: {  	_ =	shalt  }
0x6a: {  	_ =	shalt  }
0x6b: {  	_ =	shalt  }
0x6c: {  	_ =	shalt  }
0x6d: {  	_ =	shalt  }
0x6e: {  	_ =	shalt  }
0x6f: {  	_ =	shalt  }
0x70: {  	_ =	shalt  }
0x71: {  	_ =	shalt  }
0x72: {  	_ =	shalt  }
0x73: {  	_ =	shalt  }
0x74: {  	_ =	shalt  }
0x75: {  	_ =	shalt  }
0x76: {  	_ =	shalt  }
0x77: {  	_ =	shalt  }
0x78: {  	_ =	shalt  }
0x79: {  	_ =	shalt  }
0x7a: {  	_ =	shalt  }
0x7b: {  	_ =	shalt  }
0x7c: {  	_ =	shalt  }
0x7d: {  	_ =	shalt  }
0x7e: {  	_ =	shalt  }
0x7f: {  	_ =	shalt  }
0x80: {  	_ =	shalt  }
0x81: {  	_ =	shalt  }
0x82: {  	_ =	shalt  }
0x83: {  	_ =	shalt  }
0x84: {  	_ =	shalt  }
0x85: {  	_ =	shalt  }
0x86: {  	_ =	shalt  }
0x87: {  	_ =	shalt  }
.Lfunc_end0:
.L_simem_size_0:
called_computation_lowered:
.L_overlay_start_0:
0x88: {  	s2 =	sld [smem:$0x3FD9]  }
0x89: {  	s3 =	sld [smem:$0x3FFE];
	_ =	sdelay $0x1  }
0x8a: {  	s1 =	srdreg.scid  }
0x8b: {  	s0 =	sand.u32 $0x1, s1  }
0x8c: {  	s17 =	sshll.u32 s0, $0xA;
	s2 =	sadd.s32 s3, s2  }
0x8d: {  	s2 =	sadd.s32 s2, s17  }
0x8e: {  	[smem:$0x3FC6] =	sst s2  }
0x8f: {  	_ = 	snop  }
0x90: {  	s2 =	sld [smem:$0x3FD0];
	(tm) =	ssettm $0x1  }
0x91: {  	s18 =	sld [smem:$0x3FFB];
	_ =	sdelay $0x3  }
0x92: {  	_ =	strace s18  }
0x93: {  	s3 =	sld [smem:$0x3FFC];
	_ =	sdelay $0x3  }
0x94: {  	_ =	strace s3  }
0x95: {  	s3 =	sld [smem:$0x3FFD];
	_ =	sdelay $0x3  }
0x96: {  	_ =	strace s3  }
0x97: {  	_ =	strace $0x8FFFFFFF  }
0x98: {  	s19 =	sld [smem:$0x3FDB];
	_ =	sdelay $0x1  }
0x99: {  	s4 =	simm.s32 $_scs_section_size  }
0x9a: {  	s5 =	simm.s32 $_size__tile_overlayer_lowered;
	s6 =	simm.s32 $_tile_overlayer_lowered  }
0x9b: {  	s22 =	simm.s32 $0x1BFF;
	s21 =	sshll.u32 s6, $0x1;
	s3 =	sadd.s32 s4, s19  }
0x9c: {  	s7 =	simm.s32 $0x0;
	s20 =	sshll.u32 s5, $0x1;
	s5 =	sadd.s32 s21, s3  }
0x9d: {  	[timem:s7], [sflag:s22] =	dma.local [hbm:s5], s20  }
0x9e: {  	_ =	swait.ge [sflag:s22], s20  }
0x9f: {  	s4 =	ssub.s32 $0x0, s20;
	[sflag:s22] =	ssyncset.done $0x0  }
0xa0: {  	[sflag:s22] =	ssyncadd.s32 s4;
	_ =	sdelay $0x1  }
0xa1: {  	s23 =	simm.s32 $0x1B8B  }
0xa2: {  	_ =	swait.ge [sflag:s23], $0x1  }
0xa3: {  	[sflag:s23] =	ssyncset.done $0x0  }
0xa4: {  	s25 =	simm.s32 $0x1B8E;
	s24 =	sld [smem:$0x3FFE];
	[sflag:s23] =	ssyncadd.s32 $0xFFFFFFFF  }
0xa5: {  	s26 =	simm.s32 $execute0_lowered;
	[smem:$0x3FD2] =	sst s25  }
0xa6: {  	s5 =	sshll.u32 s26, $0x1;
	_ =	strace $0x80000046;
	[dreg:$0x1] =	wrdreg $0xFFFFFFFF  }
0xa7: {  	s28 =	simm.s32 $_size_execute0_lowered;
	s3 =	sadd.s32 s3, s5;
	[dreg:$0x0] =	wrdreg $0x0  }
0xa8: {  	s5 =	sshll.u32 s28, $0x1;
	[dreg:$0x2] =	wrdreg s3  }
0xa9: {  	[dreg:$0x3] =	wrdreg s5  }
0xaa: {  	[dreg:$0x4] =	wrdreg $0xC0  }
0xab: {  	_ =	task [dreg:s7], $0x5FFFF  }
0xac: {  	[dreg:$0x1] =	wrdreg $0xFFFFFFFF  }
0xad: {  	[dreg:$0x0] =	wrdreg $0x60  }
0xae: {  	[dreg:$0x2] =	wrdreg s24  }
0xaf: {  	[dreg:$0x3] =	wrdreg s2  }
0xb0: {  	[dreg:$0x4] =	wrdreg $0x9  }
0xb1: {  	_ =	task.clear_ibuf [dreg:s7], $0x5FFFF;
	_ =	strace $0x90000046  }
0xb2: {  	s29 =	simm.s32 $0x9;
	_ =	strace $0x80000048  }
0xb3: {  	_ =	swait.ge [sflag:s29], $0x1  }
0xb4: {  	[sflag:s29] =	ssyncadd.s32 $0xFFFFFFFF  }
0xb5: {  	_ =	strace $0x90000048  }
0xb6: {  	_ =	sfence  }
0xb7: {  	s30 =	sld [smem:$0x0];
	_ =	sdelay $0x2  }
0xb8: {  	s31 =	sshll.u32 s1, $0xD;
	s1 =	sshrl.u32 s1, $0x2  }
0xb9: {  	s3 =	sand.u32 $0x4000, s31;
	s1 =	sadd.s32 s1, s30  }
0xba: {  	s0 =	sor.u32 s3, s0;
	s1 =	sshll.u32 s1, $0x11  }
0xbb: {  	s0 =	sor.u32 s1, s0  }
0xbc: {  	s0 =	sadd.s32 $0x8F2B, s0  }
0xbd: {  	[sflag:s0] =	ssyncadd.remote.s32 $0x1  }
0xbe: {  	_ =	sfence.sel $0xFFFF  }
0xbf: {  	[dreg:$0x0] =	wrdreg $0xFFFFFFFF;
	(pc) =	sbr.abs _section_cstart, $3  }
0xc0: {  	[dreg:$0x1] =	wrdreg $0xFFFFFFFF  }
0xc1: {  	_ =	task.clear_ibuf [dreg:s7], $0x2FFFF;
	_ =	strace $0x9FFFFFFF  }
0xc2: {  	(tm) =	ssettm $0x7FFFFFFF  }
0xc3: {  	_ =	shalt  }
tec
execute0_lowered:
.L_overlay_start_1:
0x0: {  	(tag) =	ssettag $0x1  }
0x1: {  	s3 =	rddreg [dreg:$0x0];
	s1 =	srdreg.scid  }
0x2: {  	s0 =	stileid.u32;
	s7 =	rddreg [dreg:$0x1]  }
0x3: {  	s2 =	simm.s32 $0x0;
	s4 =	sand.u32 $0x1, s1;
	s1 =	rddreg [dreg:$0x2]  }
0x4: {  	s5 =	sshll.u32 s0, $0x1;
	[smem:$0x7FF] =	sst s2;
	s6 =	smul.u32 $0xC2, s0  }
0x5: {  	s8 =	sor.u32 s4, s5;
	_ =	strace $0x80000047;
	s11 =	smul.u32 $0x61, s4  }
0x6: {  	s4 =	ssub.s32 $0x2, s4;
	s5 =	smul.u32 $0x61, s8;
	s9 =	sshll.u32 s8, $0xB  }
0x7: {  	s10 =	smin.u32 s8, $0x15;
	s30 =	sshrl.u32 s4, $0x1;
	p0 =	sgt.u32 s8, $0x14  }
0x8: {  	s8 =	simm.s32 $0x4000;
	s9 =	sadd.s32 s9, s3;
	s6 =	sadd.s32 s11, s6  }
0x9: {  	s11 =	ssub.s32 s4, s30;
	s5 =	sadd.s32 s10, s5;
	s6 =	sadd.s32 s10, s6  }
0xa: {  	s10 =	simm.s32 $0x0;
	s5 =	sshll.u32 s5, $0x6;
	s31 =	sshll.u32 s6, $0xC  }
0xb: {  	s6 =	smax.u32 s11, $0x1;
	s5 =	sadd.s32 s5, s3;
	s3 =	sadd.s32 $0x31400, s9  }
0xc: {  	s7 =	sadd.s32 s31, s7;
	s9 =	simm.s32 $0x1;
	s4 =	sadd.s32 $0x600, s5  }
0xd: {  	s5 =	sadd.s32 $0x1E40, s5;
	[dreg:$0x3] =	wrdreg s7;
	s7 =	simm.s32 $0x2  }
.LBB2_1:
0xe: {  	[tilespmem:s2], [sflag:$0x2] =	stream.linear.gather [hbm4b:s3+s2], $0x4000, $0x38;
	[tilespmem:$0x10400] =	vst v63  }
0xf: {  	_ =	swait.ge [sflag:s7], $0x4000  }
0x10: {  	[sflag:s7] =	ssyncset.done $0x0  }
0x11: {  	[sflag:s7] =	ssyncadd.s32 $0xFFFFC000  }
0x12: {  	[tilespmem:s8], [sflag:$0x2] =	stream.linear.gather [hbm4b:s4+s2], $0xC200, $0x38;
	[tilespmem:$0x10400] =	vst v63  }
0x13: {  	_ =	swait.ge [sflag:s7], $0xC200  }
0x14: {  	[sflag:s7] =	ssyncset.done $0x0  }
0x15: {  	s11 =	simm.s32 @!p0 $0x0;
	s12 =	simm.s32 @!p0 $0x10200;
	[sflag:s7] =	ssyncadd.s32 $0xFFFF3E00  }
0x16: {  	[tilespmem:s12], [sflag:$0x2] =	stream.linear.gather @!p0 [hbm4b:s5+s11], $0x200, $0x38;
	[tilespmem:$0x10400] =	vst v63  }
0x17: {  	s11 =	simm.s32 @!p0 $0x2  }
0x18: {  	s12 =	simm.s32 @!p0 $0xC4;
	_ =	swait.ge @!p0 [sflag:s11], $0x200  }
0x19: {  	s12 =	simm.s32 @p0 $0xC2;
	[sflag:s11] =	ssyncset.done @!p0 $0x0  }
0x1a: {  	s13 =	simm.s32 $0x0;
	s12 =	sshll.u32 s12, $0xB;
	[sflag:s11] =	ssyncadd.s32 @!p0 $0xFFFFFE00  }
0x1b: {  	[dreg:$0x4] =	wrdreg s12;
	s11 =	simm.s32 $0x4080;
	s12 =	simm.s32 $0x0  }
.LBB2_2:
0x1c: {  	v0 =	vld [tilespmem:s11+$0xFFFFFF80];
	_ =	sdelay $0x4  }
0x1d: {  	(xrf0) =	vmax.scan.msk.f32 $0xffff, v0;
	_ =	sdelay $0x5  }
0x1e: {  	v1, _, _ =	vpop (xrf0)  }
0x1f: {  	v1 =	vbroadcast v1, $0xF;
	_ =	sdelay $0x1  }
0x20: {  	vm0 =	veq.f32 v0, v1  }
0x21: {  	v0 =	vmctz.xlane vm0;
	_ =	sdelay $0x1  }
0x22: {  	v46 =	vld [tilespmem:s11+$0xFFFFFF90];
	(v2sf) =	vpush v0, $0x0;
	_ =	sdelay $0x4  }
0x23: {  	(xrf0) =	vmax.scan.msk.f32 $0xffff, v46  }
0x24: {  	v11 =	vld [tilespmem:s11+$0xFFFFFFA0]  }
0x25: {  	v12 =	vld [tilespmem:s11+$0xFFFFFFB0]  }
0x26: {  	v13 =	vld [tilespmem:s11+$0xFFFFFFC0]  }
0x27: {  	v10 =	vld [tilespmem:s11+$0xFFFFFFD0]  }
0x28: {  	v9 =	vld [tilespmem:s11+$0xFFFFFFE0]  }
0x29: {  	v8 =	vld [tilespmem:s11+$0xFFFFFFF0];
	v47, _, _ =	vpop (xrf0)  }
0x2a: {  	v7 =	vld [tilespmem:s11+$0x0];
	v1 =	vbroadcast v47, $0xF  }
0x2b: {  	v6 =	vld [tilespmem:s11+$0x10]  }
0x2c: {  	v5 =	vld [tilespmem:s11+$0x20];
	vm13 =	veq.f32 v46, v1  }
0x2d: {  	v4 =	vld [tilespmem:s11+$0x30];
	v14 =	vmctz.xlane vm13;
	s14 =	spop (v2sf)  }
0x2e: {  	v3 =	vld [tilespmem:s11+$0x40];
	s16 =	sshll.u32 s14, $0xA;
	s14 =	sshll.u32 s14, $0x7  }
0x2f: {  	s15 =	rddreg [dreg:$0x3];
	v2 =	vld [tilespmem:s11+$0x50];
	(v2sf) =	vpush v14, $0x1;
	s16 =	sand.u32 $0xFFFFE000, s16;
	s17 =	sand.u32 $0x380, s14  }
0x30: {  	v48 =	vld [tilespmem:s11+$0x60];
	s14 =	sadd.s32 s12, s15;
	s18 =	sor.u32 s17, s16  }
0x31: {  	v49 =	vld [tilespmem:s11+$0x70];
	[hbm4b:s14+s2] =	stream.linear.scatter [tilespmem:s18], [sflag:$0x1], $0x80, $0x38  }
0x32: {  	s19 =	sadd.s32 $0x80, s14;
	s16 =	sor.u32 $0x400, s18  }
0x33: {  	[hbm4b:s19+s2] =	stream.linear.scatter [tilespmem:s16], [sflag:$0x1], $0x80, $0x38;
	[tilespmem:$0x10400] =	vst v63  }
0x34: {  	(xrf0) =	vmax.scan.msk.f32 $0xffff, v11;
	s21 =	sadd.s32 $0x100, s14;
	s20 =	sor.u32 $0x800, s18  }
0x35: {  	[hbm4b:s21+s2] =	stream.linear.scatter [tilespmem:s20], [sflag:$0x1], $0x80, $0x38;
	[tilespmem:$0x10400] =	vst v63  }
0x36: {  	s23 =	sadd.s32 $0x180, s14;
	s22 =	sor.u32 $0xC00, s18  }
0x37: {  	[hbm4b:s23+s2] =	stream.linear.scatter [tilespmem:s22], [sflag:$0x1], $0x80, $0x38;
	[tilespmem:$0x10400] =	vst v63  }
0x38: {  	s25 =	sadd.s32 $0x200, s14;
	s24 =	sor.u32 $0x1000, s18  }
0x39: {  	[hbm4b:s25+s2] =	stream.linear.scatter [tilespmem:s24], [sflag:$0x1], $0x80, $0x38;
	[tilespmem:$0x10400] =	vst v63  }
0x3a: {  	s28 =	sadd.s32 $0x280, s14;
	s26 =	sor.u32 $0x1400, s18  }
0x3b: {  	v50, _, _ =	vpop (xrf0);
	[hbm4b:s28+s2] =	stream.linear.scatter [tilespmem:s26], [sflag:$0x1], $0x80, $0x38;
	[tilespmem:$0x10400] =	vst v63  }
0x3c: {  	v14 =	vbroadcast v50, $0xF;
	s30 =	sadd.s32 $0x300, s14;
	s29 =	sor.u32 $0x1800, s18  }
0x3d: {  	[hbm4b:s30+s2] =	stream.linear.scatter [tilespmem:s29], [sflag:$0x1], $0x80, $0x38;
	[tilespmem:$0x10400] =	vst v63  }
0x3e: {  	vm14 =	veq.f32 v11, v14;
	s31 =	sadd.s32 $0x380, s14;
	s15 =	sor.u32 $0x1C00, s18;
	s16 =	spop (v2sf)  }
0x3f: {  	v11 =	vmctz.xlane vm14;
	[hbm4b:s31+s2] =	stream.linear.scatter [tilespmem:s15], [sflag:$0x1], $0x80, $0x38;
	[tilespmem:$0x10400] =	vst v63  }
0x40: {  	s17 =	sshll.u32 s16, $0xA;
	s15 =	sshll.u32 s16, $0x7  }
0x41: {  	(v2sf) =	vpush v11, $0x2;
	s16 =	sand.u32 $0xFFFFE000, s17;
	s15 =	sand.u32 $0x380, s15  }
0x42: {  	s18 =	sadd.s32 $0x10, s14;
	s15 =	sor.u32 s15, s16  }
0x43: {  	[hbm4b:s18+s2] =	stream.linear.scatter [tilespmem:s15], [sflag:$0x1], $0x80, $0x38;
	[tilespmem:$0x10400] =	vst v63  }
0x44: {  	s19 =	sadd.s32 $0x90, s14;
	s16 =	sor.u32 $0x400, s15  }
0x45: {  	[hbm4b:s19+s2] =	stream.linear.scatter [tilespmem:s16], [sflag:$0x1], $0x80, $0x38;
	[tilespmem:$0x10400] =	vst v63  }
0x46: {  	(xrf0) =	vmax.scan.msk.f32 $0xffff, v12;
	s21 =	sadd.s32 $0x110, s14;
	s20 =	sor.u32 $0x800, s15  }
0x47: {  	[hbm4b:s21+s2] =	stream.linear.scatter [tilespmem:s20], [sflag:$0x1], $0x80, $0x38;
	[tilespmem:$0x10400] =	vst v63  }
0x48: {  	s23 =	sadd.s32 $0x190, s14;
	s22 =	sor.u32 $0xC00, s15  }
0x49: {  	[hbm4b:s23+s2] =	stream.linear.scatter [tilespmem:s22], [sflag:$0x1], $0x80, $0x38;
	[tilespmem:$0x10400] =	vst v63  }
0x4a: {  	s25 =	sadd.s32 $0x210, s14;
	s24 =	sor.u32 $0x1000, s15  }
0x4b: {  	[hbm4b:s25+s2] =	stream.linear.scatter [tilespmem:s24], [sflag:$0x1], $0x80, $0x38;
	[tilespmem:$0x10400] =	vst v63  }
0x4c: {  	s28 =	sadd.s32 $0x290, s14;
	s26 =	sor.u32 $0x1400, s15  }
0x4d: {  	v51, _, _ =	vpop (xrf0);
	[hbm4b:s28+s2] =	stream.linear.scatter [tilespmem:s26], [sflag:$0x1], $0x80, $0x38;
	[tilespmem:$0x10400] =	vst v63  }
0x4e: {  	v11 =	vbroadcast v51, $0xF;
	s30 =	sadd.s32 $0x310, s14;
	s29 =	sor.u32 $0x1800, s15  }
0x4f: {  	[hbm4b:s30+s2] =	stream.linear.scatter [tilespmem:s29], [sflag:$0x1], $0x80, $0x38;
	[tilespmem:$0x10400] =	vst v63  }
0x50: {  	vm15 =	veq.f32 v12, v11;
	s31 =	sadd.s32 $0x390, s14;
	s15 =	sor.u32 $0x1C00, s15;
	s16 =	spop (v2sf)  }
0x51: {  	v11 =	vmctz.xlane vm15;
	[hbm4b:s31+s2] =	stream.linear.scatter [tilespmem:s15], [sflag:$0x1], $0x80, $0x38;
	[tilespmem:$0x10400] =	vst v63  }
0x52: {  	s17 =	sshll.u32 s16, $0xA;
	s15 =	sshll.u32 s16, $0x7  }
0x53: {  	(v2sf) =	vpush v11, $0x3;
	s16 =	sand.u32 $0xFFFFE000, s17;
	s15 =	sand.u32 $0x380, s15  }
0x54: {  	s18 =	sadd.s32 $0x20, s14;
	s15 =	sor.u32 s15, s16  }
0x55: {  	[hbm4b:s18+s2] =	stream.linear.scatter [tilespmem:s15], [sflag:$0x1], $0x80, $0x38;
	[tilespmem:$0x10400] =	vst v63  }
0x56: {  	s19 =	sadd.s32 $0xA0, s14;
	s16 =	sor.u32 $0x400, s15  }
0x57: {  	[hbm4b:s19+s2] =	stream.linear.scatter [tilespmem:s16], [sflag:$0x1], $0x80, $0x38;
	[tilespmem:$0x10400] =	vst v63  }
0x58: {  	(xrf0) =	vmax.scan.msk.f32 $0xffff, v13;
	s21 =	sadd.s32 $0x120, s14;
	s20 =	sor.u32 $0x800, s15  }
0x59: {  	[hbm4b:s21+s2] =	stream.linear.scatter [tilespmem:s20], [sflag:$0x1], $0x80, $0x38;
	[tilespmem:$0x10400] =	vst v63  }
0x5a: {  	s23 =	sadd.s32 $0x1A0, s14;
	s22 =	sor.u32 $0xC00, s15  }
0x5b: {  	[hbm4b:s23+s2] =	stream.linear.scatter [tilespmem:s22], [sflag:$0x1], $0x80, $0x38;
	[tilespmem:$0x10400] =	vst v63  }
0x5c: {  	s25 =	sadd.s32 $0x220, s14;
	s24 =	sor.u32 $0x1000, s15  }
0x5d: {  	[hbm4b:s25+s2] =	stream.linear.scatter [tilespmem:s24], [sflag:$0x1], $0x80, $0x38;
	[tilespmem:$0x10400] =	vst v63  }
0x5e: {  	s28 =	sadd.s32 $0x2A0, s14;
	s26 =	sor.u32 $0x1400, s15  }
0x5f: {  	v52, _, _ =	vpop (xrf0);
	[hbm4b:s28+s2] =	stream.linear.scatter [tilespmem:s26], [sflag:$0x1], $0x80, $0x38;
	[tilespmem:$0x10400] =	vst v63  }
0x60: {  	v11 =	vbroadcast v52, $0xF;
	s30 =	sadd.s32 $0x320, s14;
	s29 =	sor.u32 $0x1800, s15  }
0x61: {  	[hbm4b:s30+s2] =	stream.linear.scatter [tilespmem:s29], [sflag:$0x1], $0x80, $0x38;
	[tilespmem:$0x10400] =	vst v63  }
0x62: {  	vm4 =	veq.f32 v13, v11;
	s31 =	sadd.s32 $0x3A0, s14;
	s15 =	sor.u32 $0x1C00, s15;
	s16 =	spop (v2sf)  }
0x63: {  	v11 =	vmctz.xlane vm4;
	[hbm4b:s31+s2] =	stream.linear.scatter [tilespmem:s15], [sflag:$0x1], $0x80, $0x38;
	[tilespmem:$0x10400] =	vst v63  }
0x64: {  	s17 =	sshll.u32 s16, $0xA;
	s15 =	sshll.u32 s16, $0x7  }
0x65: {  	(v2sf) =	vpush v11, $0x4;
	s16 =	sand.u32 $0xFFFFE000, s17;
	s15 =	sand.u32 $0x380, s15  }
0x66: {  	s18 =	sadd.s32 $0x30, s14;
	s15 =	sor.u32 s15, s16  }
0x67: {  	[hbm4b:s18+s2] =	stream.linear.scatter [tilespmem:s15], [sflag:$0x1], $0x80, $0x38;
	[tilespmem:$0x10400] =	vst v63  }
0x68: {  	s19 =	sadd.s32 $0xB0, s14;
	s16 =	sor.u32 $0x400, s15  }
0x69: {  	[hbm4b:s19+s2] =	stream.linear.scatter [tilespmem:s16], [sflag:$0x1], $0x80, $0x38;
	[tilespmem:$0x10400] =	vst v63  }
0x6a: {  	(xrf0) =	vmax.scan.msk.f32 $0xffff, v10;
	s21 =	sadd.s32 $0x130, s14;
	s20 =	sor.u32 $0x800, s15  }
0x6b: {  	[hbm4b:s21+s2] =	stream.linear.scatter [tilespmem:s20], [sflag:$0x1], $0x80, $0x38;
	[tilespmem:$0x10400] =	vst v63  }
0x6c: {  	s23 =	sadd.s32 $0x1B0, s14;
	s22 =	sor.u32 $0xC00, s15  }
0x6d: {  	[hbm4b:s23+s2] =	stream.linear.scatter [tilespmem:s22], [sflag:$0x1], $0x80, $0x38;
	[tilespmem:$0x10400] =	vst v63  }
0x6e: {  	s25 =	sadd.s32 $0x230, s14;
	s24 =	sor.u32 $0x1000, s15  }
0x6f: {  	[hbm4b:s25+s2] =	stream.linear.scatter [tilespmem:s24], [sflag:$0x1], $0x80, $0x38;
	[tilespmem:$0x10400] =	vst v63  }
0x70: {  	s28 =	sadd.s32 $0x2B0, s14;
	s26 =	sor.u32 $0x1400, s15  }
0x71: {  	v53, _, _ =	vpop (xrf0);
	[hbm4b:s28+s2] =	stream.linear.scatter [tilespmem:s26], [sflag:$0x1], $0x80, $0x38;
	[tilespmem:$0x10400] =	vst v63  }
0x72: {  	v11 =	vbroadcast v53, $0xF;
	s30 =	sadd.s32 $0x330, s14;
	s29 =	sor.u32 $0x1800, s15  }
0x73: {  	[hbm4b:s30+s2] =	stream.linear.scatter [tilespmem:s29], [sflag:$0x1], $0x80, $0x38;
	[tilespmem:$0x10400] =	vst v63  }
0x74: {  	vm5 =	veq.f32 v10, v11;
	s31 =	sadd.s32 $0x3B0, s14;
	s15 =	sor.u32 $0x1C00, s15;
	s16 =	spop (v2sf)  }
0x75: {  	v10 =	vmctz.xlane vm5;
	[hbm4b:s31+s2] =	stream.linear.scatter [tilespmem:s15], [sflag:$0x1], $0x80, $0x38;
	[tilespmem:$0x10400] =	vst v63  }
0x76: {  	s17 =	sshll.u32 s16, $0xA;
	s15 =	sshll.u32 s16, $0x7  }
0x77: {  	(v2sf) =	vpush v10, $0x5;
	s16 =	sand.u32 $0xFFFFE000, s17;
	s15 =	sand.u32 $0x380, s15  }
0x78: {  	s18 =	sadd.s32 $0x40, s14;
	s15 =	sor.u32 s15, s16  }
0x79: {  	[hbm4b:s18+s2] =	stream.linear.scatter [tilespmem:s15], [sflag:$0x1], $0x80, $0x38;
	[tilespmem:$0x10400] =	vst v63  }
0x7a: {  	s19 =	sadd.s32 $0xC0, s14;
	s16 =	sor.u32 $0x400, s15  }
0x7b: {  	[hbm4b:s19+s2] =	stream.linear.scatter [tilespmem:s16], [sflag:$0x1], $0x80, $0x38;
	[tilespmem:$0x10400] =	vst v63  }
0x7c: {  	(xrf0) =	vmax.scan.msk.f32 $0xffff, v9;
	s21 =	sadd.s32 $0x140, s14;
	s20 =	sor.u32 $0x800, s15  }
0x7d: {  	[hbm4b:s21+s2] =	stream.linear.scatter [tilespmem:s20], [sflag:$0x1], $0x80, $0x38;
	[tilespmem:$0x10400] =	vst v63  }
0x7e: {  	s23 =	sadd.s32 $0x1C0, s14;
	s22 =	sor.u32 $0xC00, s15  }
0x7f: {  	[hbm4b:s23+s2] =	stream.linear.scatter [tilespmem:s22], [sflag:$0x1], $0x80, $0x38;
	[tilespmem:$0x10400] =	vst v63  }
0x80: {  	s25 =	sadd.s32 $0x240, s14;
	s24 =	sor.u32 $0x1000, s15  }
0x81: {  	[hbm4b:s25+s2] =	stream.linear.scatter [tilespmem:s24], [sflag:$0x1], $0x80, $0x38;
	[tilespmem:$0x10400] =	vst v63  }
0x82: {  	s28 =	sadd.s32 $0x2C0, s14;
	s26 =	sor.u32 $0x1400, s15  }
0x83: {  	v54, _, _ =	vpop (xrf0);
	[hbm4b:s28+s2] =	stream.linear.scatter [tilespmem:s26], [sflag:$0x1], $0x80, $0x38;
	[tilespmem:$0x10400] =	vst v63  }
0x84: {  	v10 =	vbroadcast v54, $0xF;
	s30 =	sadd.s32 $0x340, s14;
	s29 =	sor.u32 $0x1800, s15  }
0x85: {  	[hbm4b:s30+s2] =	stream.linear.scatter [tilespmem:s29], [sflag:$0x1], $0x80, $0x38;
	[tilespmem:$0x10400] =	vst v63  }
0x86: {  	vm6 =	veq.f32 v9, v10;
	s31 =	sadd.s32 $0x3C0, s14;
	s15 =	sor.u32 $0x1C00, s15;
	s16 =	spop (v2sf)  }
0x87: {  	v9 =	vmctz.xlane vm6;
	[hbm4b:s31+s2] =	stream.linear.scatter [tilespmem:s15], [sflag:$0x1], $0x80, $0x38;
	[tilespmem:$0x10400] =	vst v63  }
0x88: {  	s17 =	sshll.u32 s16, $0xA;
	s15 =	sshll.u32 s16, $0x7  }
0x89: {  	(v2sf) =	vpush v9, $0x6;
	s16 =	sand.u32 $0xFFFFE000, s17;
	s15 =	sand.u32 $0x380, s15  }
0x8a: {  	s18 =	sadd.s32 $0x50, s14;
	s15 =	sor.u32 s15, s16  }
0x8b: {  	[hbm4b:s18+s2] =	stream.linear.scatter [tilespmem:s15], [sflag:$0x1], $0x80, $0x38;
	[tilespmem:$0x10400] =	vst v63  }
0x8c: {  	s19 =	sadd.s32 $0xD0, s14;
	s16 =	sor.u32 $0x400, s15  }
0x8d: {  	[hbm4b:s19+s2] =	stream.linear.scatter [tilespmem:s16], [sflag:$0x1], $0x80, $0x38;
	[tilespmem:$0x10400] =	vst v63  }
0x8e: {  	(xrf0) =	vmax.scan.msk.f32 $0xffff, v8;
	s21 =	sadd.s32 $0x150, s14;
	s20 =	sor.u32 $0x800, s15  }
0x8f: {  	[hbm4b:s21+s2] =	stream.linear.scatter [tilespmem:s20], [sflag:$0x1], $0x80, $0x38;
	[tilespmem:$0x10400] =	vst v63  }
0x90: {  	s23 =	sadd.s32 $0x1D0, s14;
	s22 =	sor.u32 $0xC00, s15  }
0x91: {  	[hbm4b:s23+s2] =	stream.linear.scatter [tilespmem:s22], [sflag:$0x1], $0x80, $0x38;
	[tilespmem:$0x10400] =	vst v63  }
0x92: {  	s25 =	sadd.s32 $0x250, s14;
	s24 =	sor.u32 $0x1000, s15  }
0x93: {  	[hbm4b:s25+s2] =	stream.linear.scatter [tilespmem:s24], [sflag:$0x1], $0x80, $0x38;
	[tilespmem:$0x10400] =	vst v63  }
0x94: {  	s28 =	sadd.s32 $0x2D0, s14;
	s26 =	sor.u32 $0x1400, s15  }
0x95: {  	v55, _, _ =	vpop (xrf0);
	[hbm4b:s28+s2] =	stream.linear.scatter [tilespmem:s26], [sflag:$0x1], $0x80, $0x38;
	[tilespmem:$0x10400] =	vst v63  }
0x96: {  	v9 =	vbroadcast v55, $0xF;
	s30 =	sadd.s32 $0x350, s14;
	s29 =	sor.u32 $0x1800, s15  }
0x97: {  	[hbm4b:s30+s2] =	stream.linear.scatter [tilespmem:s29], [sflag:$0x1], $0x80, $0x38;
	[tilespmem:$0x10400] =	vst v63  }
0x98: {  	vm7 =	veq.f32 v8, v9;
	s31 =	sadd.s32 $0x3D0, s14;
	s15 =	sor.u32 $0x1C00, s15;
	s16 =	spop (v2sf)  }
0x99: {  	v8 =	vmctz.xlane vm7;
	[hbm4b:s31+s2] =	stream.linear.scatter [tilespmem:s15], [sflag:$0x1], $0x80, $0x38;
	[tilespmem:$0x10400] =	vst v63  }
0x9a: {  	s17 =	sshll.u32 s16, $0xA;
	s15 =	sshll.u32 s16, $0x7  }
0x9b: {  	(v2sf) =	vpush v8, $0x7;
	s16 =	sand.u32 $0xFFFFE000, s17;
	s15 =	sand.u32 $0x380, s15  }
0x9c: {  	s18 =	sadd.s32 $0x60, s14;
	s15 =	sor.u32 s15, s16  }
0x9d: {  	[hbm4b:s18+s2] =	stream.linear.scatter [tilespmem:s15], [sflag:$0x1], $0x80, $0x38;
	[tilespmem:$0x10400] =	vst v63  }
0x9e: {  	s19 =	sadd.s32 $0xE0, s14;
	s16 =	sor.u32 $0x400, s15  }
0x9f: {  	[hbm4b:s19+s2] =	stream.linear.scatter [tilespmem:s16], [sflag:$0x1], $0x80, $0x38;
	[tilespmem:$0x10400] =	vst v63  }
0xa0: {  	(xrf0) =	vmax.scan.msk.f32 $0xffff, v7;
	s21 =	sadd.s32 $0x160, s14;
	s20 =	sor.u32 $0x800, s15  }
0xa1: {  	[hbm4b:s21+s2] =	stream.linear.scatter [tilespmem:s20], [sflag:$0x1], $0x80, $0x38;
	[tilespmem:$0x10400] =	vst v63  }
0xa2: {  	s23 =	sadd.s32 $0x1E0, s14;
	s22 =	sor.u32 $0xC00, s15  }
0xa3: {  	[hbm4b:s23+s2] =	stream.linear.scatter [tilespmem:s22], [sflag:$0x1], $0x80, $0x38;
	[tilespmem:$0x10400] =	vst v63  }
0xa4: {  	s25 =	sadd.s32 $0x260, s14;
	s24 =	sor.u32 $0x1000, s15  }
0xa5: {  	[hbm4b:s25+s2] =	stream.linear.scatter [tilespmem:s24], [sflag:$0x1], $0x80, $0x38;
	[tilespmem:$0x10400] =	vst v63  }
0xa6: {  	s28 =	sadd.s32 $0x2E0, s14;
	s26 =	sor.u32 $0x1400, s15  }
0xa7: {  	v56, _, _ =	vpop (xrf0);
	[hbm4b:s28+s2] =	stream.linear.scatter [tilespmem:s26], [sflag:$0x1], $0x80, $0x38;
	[tilespmem:$0x10400] =	vst v63  }
0xa8: {  	v8 =	vbroadcast v56, $0xF;
	s30 =	sadd.s32 $0x360, s14;
	s29 =	sor.u32 $0x1800, s15  }
0xa9: {  	[hbm4b:s30+s2] =	stream.linear.scatter [tilespmem:s29], [sflag:$0x1], $0x80, $0x38;
	[tilespmem:$0x10400] =	vst v63  }
0xaa: {  	vm8 =	veq.f32 v7, v8;
	s31 =	sadd.s32 $0x3E0, s14;
	s15 =	sor.u32 $0x1C00, s15;
	s16 =	spop (v2sf)  }
0xab: {  	v7 =	vmctz.xlane vm8;
	[hbm4b:s31+s2] =	stream.linear.scatter [tilespmem:s15], [sflag:$0x1], $0x80, $0x38;
	[tilespmem:$0x10400] =	vst v63  }
0xac: {  	s17 =	sshll.u32 s16, $0xA;
	s15 =	sshll.u32 s16, $0x7  }
0xad: {  	(v2sf) =	vpush v7, $0x8;
	s16 =	sand.u32 $0xFFFFE000, s17;
	s15 =	sand.u32 $0x380, s15  }
0xae: {  	s18 =	sadd.s32 $0x70, s14;
	s15 =	sor.u32 s15, s16  }
0xaf: {  	[hbm4b:s18+s2] =	stream.linear.scatter [tilespmem:s15], [sflag:$0x1], $0x80, $0x38;
	[tilespmem:$0x10400] =	vst v63  }
0xb0: {  	s19 =	sadd.s32 $0xF0, s14;
	s16 =	sor.u32 $0x400, s15  }
0xb1: {  	[hbm4b:s19+s2] =	stream.linear.scatter [tilespmem:s16], [sflag:$0x1], $0x80, $0x38;
	[tilespmem:$0x10400] =	vst v63  }
0xb2: {  	(xrf0) =	vmax.scan.msk.f32 $0xffff, v6;
	s21 =	sadd.s32 $0x170, s14;
	s20 =	sor.u32 $0x800, s15  }
0xb3: {  	[hbm4b:s21+s2] =	stream.linear.scatter [tilespmem:s20], [sflag:$0x1], $0x80, $0x38;
	[tilespmem:$0x10400] =	vst v63  }
0xb4: {  	s23 =	sadd.s32 $0x1F0, s14;
	s22 =	sor.u32 $0xC00, s15  }
0xb5: {  	[hbm4b:s23+s2] =	stream.linear.scatter [tilespmem:s22], [sflag:$0x1], $0x80, $0x38;
	[tilespmem:$0x10400] =	vst v63  }
0xb6: {  	s25 =	sadd.s32 $0x270, s14;
	s24 =	sor.u32 $0x1000, s15  }
0xb7: {  	[hbm4b:s25+s2] =	stream.linear.scatter [tilespmem:s24], [sflag:$0x1], $0x80, $0x38;
	[tilespmem:$0x10400] =	vst v63  }
0xb8: {  	s28 =	sadd.s32 $0x2F0, s14;
	s26 =	sor.u32 $0x1400, s15  }
0xb9: {  	v57, _, _ =	vpop (xrf0);
	[hbm4b:s28+s2] =	stream.linear.scatter [tilespmem:s26], [sflag:$0x1], $0x80, $0x38;
	[tilespmem:$0x10400] =	vst v63  }
0xba: {  	v7 =	vbroadcast v57, $0xF;
	s30 =	sadd.s32 $0x370, s14;
	s29 =	sor.u32 $0x1800, s15  }
0xbb: {  	[hbm4b:s30+s2] =	stream.linear.scatter [tilespmem:s29], [sflag:$0x1], $0x80, $0x38;
	[tilespmem:$0x10400] =	vst v63  }
0xbc: {  	vm9 =	veq.f32 v6, v7;
	s31 =	sadd.s32 $0x3F0, s14;
	s15 =	sor.u32 $0x1C00, s15;
	s16 =	spop (v2sf)  }
0xbd: {  	v6 =	vmctz.xlane vm9;
	[hbm4b:s31+s2] =	stream.linear.scatter [tilespmem:s15], [sflag:$0x1], $0x80, $0x38;
	[tilespmem:$0x10400] =	vst v63  }
0xbe: {  	s17 =	sshll.u32 s16, $0xA;
	s15 =	sshll.u32 s16, $0x7  }
0xbf: {  	(v2sf) =	vpush v6, $0x9;
	s16 =	sand.u32 $0xFFFFE000, s17;
	s15 =	sand.u32 $0x380, s15  }
0xc0: {  	s18 =	sadd.s32 $0x400, s14;
	s15 =	sor.u32 s15, s16  }
0xc1: {  	[hbm4b:s18+s2] =	stream.linear.scatter [tilespmem:s15], [sflag:$0x1], $0x80, $0x38;
	[tilespmem:$0x10400] =	vst v63  }
0xc2: {  	s19 =	sadd.s32 $0x480, s14;
	s16 =	sor.u32 $0x400, s15  }
0xc3: {  	[hbm4b:s19+s2] =	stream.linear.scatter [tilespmem:s16], [sflag:$0x1], $0x80, $0x38;
	[tilespmem:$0x10400] =	vst v63  }
0xc4: {  	(xrf0) =	vmax.scan.msk.f32 $0xffff, v5;
	s21 =	sadd.s32 $0x500, s14;
	s20 =	sor.u32 $0x800, s15  }
0xc5: {  	[hbm4b:s21+s2] =	stream.linear.scatter [tilespmem:s20], [sflag:$0x1], $0x80, $0x38;
	[tilespmem:$0x10400] =	vst v63  }
0xc6: {  	s23 =	sadd.s32 $0x580, s14;
	s22 =	sor.u32 $0xC00, s15  }
0xc7: {  	[hbm4b:s23+s2] =	stream.linear.scatter [tilespmem:s22], [sflag:$0x1], $0x80, $0x38;
	[tilespmem:$0x10400] =	vst v63  }
0xc8: {  	s25 =	sadd.s32 $0x600, s14;
	s24 =	sor.u32 $0x1000, s15  }
0xc9: {  	[hbm4b:s25+s2] =	stream.linear.scatter [tilespmem:s24], [sflag:$0x1], $0x80, $0x38;
	[tilespmem:$0x10400] =	vst v63  }
0xca: {  	s28 =	sadd.s32 $0x680, s14;
	s26 =	sor.u32 $0x1400, s15  }
0xcb: {  	v58, _, _ =	vpop (xrf0);
	[hbm4b:s28+s2] =	stream.linear.scatter [tilespmem:s26], [sflag:$0x1], $0x80, $0x38;
	[tilespmem:$0x10400] =	vst v63  }
0xcc: {  	v6 =	vbroadcast v58, $0xF;
	s30 =	sadd.s32 $0x700, s14;
	s29 =	sor.u32 $0x1800, s15  }
0xcd: {  	[hbm4b:s30+s2] =	stream.linear.scatter [tilespmem:s29], [sflag:$0x1], $0x80, $0x38;
	[tilespmem:$0x10400] =	vst v63  }
0xce: {  	vm10 =	veq.f32 v5, v6;
	s31 =	sadd.s32 $0x780, s14;
	s15 =	sor.u32 $0x1C00, s15;
	s16 =	spop (v2sf)  }
0xcf: {  	v5 =	vmctz.xlane vm10;
	[hbm4b:s31+s2] =	stream.linear.scatter [tilespmem:s15], [sflag:$0x1], $0x80, $0x38;
	[tilespmem:$0x10400] =	vst v63  }
0xd0: {  	s17 =	sshll.u32 s16, $0xA;
	s15 =	sshll.u32 s16, $0x7  }
0xd1: {  	(v2sf) =	vpush v5, $0xA;
	s16 =	sand.u32 $0xFFFFE000, s17;
	s15 =	sand.u32 $0x380, s15  }
0xd2: {  	s18 =	sadd.s32 $0x410, s14;
	s15 =	sor.u32 s15, s16  }
0xd3: {  	[hbm4b:s18+s2] =	stream.linear.scatter [tilespmem:s15], [sflag:$0x1], $0x80, $0x38;
	[tilespmem:$0x10400] =	vst v63  }
0xd4: {  	s19 =	sadd.s32 $0x490, s14;
	s16 =	sor.u32 $0x400, s15  }
0xd5: {  	[hbm4b:s19+s2] =	stream.linear.scatter [tilespmem:s16], [sflag:$0x1], $0x80, $0x38;
	[tilespmem:$0x10400] =	vst v63  }
0xd6: {  	(xrf0) =	vmax.scan.msk.f32 $0xffff, v4;
	s21 =	sadd.s32 $0x510, s14;
	s20 =	sor.u32 $0x800, s15  }
0xd7: {  	[hbm4b:s21+s2] =	stream.linear.scatter [tilespmem:s20], [sflag:$0x1], $0x80, $0x38;
	[tilespmem:$0x10400] =	vst v63  }
0xd8: {  	s23 =	sadd.s32 $0x590, s14;
	s22 =	sor.u32 $0xC00, s15  }
0xd9: {  	[hbm4b:s23+s2] =	stream.linear.scatter [tilespmem:s22], [sflag:$0x1], $0x80, $0x38;
	[tilespmem:$0x10400] =	vst v63  }
0xda: {  	s25 =	sadd.s32 $0x610, s14;
	s24 =	sor.u32 $0x1000, s15  }
0xdb: {  	[hbm4b:s25+s2] =	stream.linear.scatter [tilespmem:s24], [sflag:$0x1], $0x80, $0x38;
	[tilespmem:$0x10400] =	vst v63  }
0xdc: {  	s28 =	sadd.s32 $0x690, s14;
	s26 =	sor.u32 $0x1400, s15  }
0xdd: {  	v59, _, _ =	vpop (xrf0);
	[hbm4b:s28+s2] =	stream.linear.scatter [tilespmem:s26], [sflag:$0x1], $0x80, $0x38;
	[tilespmem:$0x10400] =	vst v63  }
0xde: {  	v5 =	vbroadcast v59, $0xF;
	s30 =	sadd.s32 $0x710, s14;
	s29 =	sor.u32 $0x1800, s15  }
0xdf: {  	[hbm4b:s30+s2] =	stream.linear.scatter [tilespmem:s29], [sflag:$0x1], $0x80, $0x38;
	[tilespmem:$0x10400] =	vst v63  }
0xe0: {  	vm11 =	veq.f32 v4, v5;
	s31 =	sadd.s32 $0x790, s14;
	s15 =	sor.u32 $0x1C00, s15;
	s16 =	spop (v2sf)  }
0xe1: {  	v4 =	vmctz.xlane vm11;
	[hbm4b:s31+s2] =	stream.linear.scatter [tilespmem:s15], [sflag:$0x1], $0x80, $0x38;
	[tilespmem:$0x10400] =	vst v63  }
0xe2: {  	s17 =	sshll.u32 s16, $0xA;
	s15 =	sshll.u32 s16, $0x7  }
0xe3: {  	(v2sf) =	vpush v4, $0xB;
	s16 =	sand.u32 $0xFFFFE000, s17;
	s15 =	sand.u32 $0x380, s15  }
0xe4: {  	s18 =	sadd.s32 $0x420, s14;
	s15 =	sor.u32 s15, s16  }
0xe5: {  	[hbm4b:s18+s2] =	stream.linear.scatter [tilespmem:s15], [sflag:$0x1], $0x80, $0x38;
	[tilespmem:$0x10400] =	vst v63  }
0xe6: {  	s19 =	sadd.s32 $0x4A0, s14;
	s16 =	sor.u32 $0x400, s15  }
0xe7: {  	[hbm4b:s19+s2] =	stream.linear.scatter [tilespmem:s16], [sflag:$0x1], $0x80, $0x38;
	[tilespmem:$0x10400] =	vst v63  }
0xe8: {  	(xrf0) =	vmax.scan.msk.f32 $0xffff, v3;
	s21 =	sadd.s32 $0x520, s14;
	s20 =	sor.u32 $0x800, s15  }
0xe9: {  	[hbm4b:s21+s2] =	stream.linear.scatter [tilespmem:s20], [sflag:$0x1], $0x80, $0x38;
	[tilespmem:$0x10400] =	vst v63  }
0xea: {  	s23 =	sadd.s32 $0x5A0, s14;
	s22 =	sor.u32 $0xC00, s15  }
0xeb: {  	[hbm4b:s23+s2] =	stream.linear.scatter [tilespmem:s22], [sflag:$0x1], $0x80, $0x38;
	[tilespmem:$0x10400] =	vst v63  }
0xec: {  	s25 =	sadd.s32 $0x620, s14;
	s24 =	sor.u32 $0x1000, s15  }
0xed: {  	[hbm4b:s25+s2] =	stream.linear.scatter [tilespmem:s24], [sflag:$0x1], $0x80, $0x38;
	[tilespmem:$0x10400] =	vst v63  }
0xee: {  	s28 =	sadd.s32 $0x6A0, s14;
	s26 =	sor.u32 $0x1400, s15  }
0xef: {  	v60, _, _ =	vpop (xrf0);
	[hbm4b:s28+s2] =	stream.linear.scatter [tilespmem:s26], [sflag:$0x1], $0x80, $0x38;
	[tilespmem:$0x10400] =	vst v63  }
0xf0: {  	v4 =	vbroadcast v60, $0xF;
	s30 =	sadd.s32 $0x720, s14;
	s29 =	sor.u32 $0x1800, s15  }
0xf1: {  	[hbm4b:s30+s2] =	stream.linear.scatter [tilespmem:s29], [sflag:$0x1], $0x80, $0x38;
	[tilespmem:$0x10400] =	vst v63  }
0xf2: {  	vm12 =	veq.f32 v3, v4;
	s31 =	sadd.s32 $0x7A0, s14;
	s15 =	sor.u32 $0x1C00, s15;
	s16 =	spop (v2sf)  }
0xf3: {  	v3 =	vmctz.xlane vm12;
	[hbm4b:s31+s2] =	stream.linear.scatter [tilespmem:s15], [sflag:$0x1], $0x80, $0x38;
	[tilespmem:$0x10400] =	vst v63  }
0xf4: {  	s17 =	sshll.u32 s16, $0xA;
	s15 =	sshll.u32 s16, $0x7  }
0xf5: {  	(v2sf) =	vpush v3, $0xC;
	s16 =	sand.u32 $0xFFFFE000, s17;
	s15 =	sand.u32 $0x380, s15  }
0xf6: {  	s18 =	sadd.s32 $0x430, s14;
	s15 =	sor.u32 s15, s16  }
0xf7: {  	[hbm4b:s18+s2] =	stream.linear.scatter [tilespmem:s15], [sflag:$0x1], $0x80, $0x38;
	[tilespmem:$0x10400] =	vst v63  }
0xf8: {  	s19 =	sadd.s32 $0x4B0, s14;
	s16 =	sor.u32 $0x400, s15  }
0xf9: {  	[hbm4b:s19+s2] =	stream.linear.scatter [tilespmem:s16], [sflag:$0x1], $0x80, $0x38;
	[tilespmem:$0x10400] =	vst v63  }
0xfa: {  	(xrf0) =	vmax.scan.msk.f32 $0xffff, v2;
	s21 =	sadd.s32 $0x530, s14;
	s20 =	sor.u32 $0x800, s15  }
0xfb: {  	[hbm4b:s21+s2] =	stream.linear.scatter [tilespmem:s20], [sflag:$0x1], $0x80, $0x38;
	[tilespmem:$0x10400] =	vst v63  }
0xfc: {  	s23 =	sadd.s32 $0x5B0, s14;
	s22 =	sor.u32 $0xC00, s15  }
0xfd: {  	[hbm4b:s23+s2] =	stream.linear.scatter [tilespmem:s22], [sflag:$0x1], $0x80, $0x38;
	[tilespmem:$0x10400] =	vst v63  }
0xfe: {  	s25 =	sadd.s32 $0x630, s14;
	s24 =	sor.u32 $0x1000, s15  }
0xff: {  	[hbm4b:s25+s2] =	stream.linear.scatter [tilespmem:s24], [sflag:$0x1], $0x80, $0x38;
	[tilespmem:$0x10400] =	vst v63  }
0x100: {  	s28 =	sadd.s32 $0x6B0, s14;
	s26 =	sor.u32 $0x1400, s15  }
0x101: {  	v61, _, _ =	vpop (xrf0);
	[hbm4b:s28+s2] =	stream.linear.scatter [tilespmem:s26], [sflag:$0x1], $0x80, $0x38;
	[tilespmem:$0x10400] =	vst v63  }
0x102: {  	v3 =	vbroadcast v61, $0xF;
	s30 =	sadd.s32 $0x730, s14;
	s29 =	sor.u32 $0x1800, s15  }
0x103: {  	[hbm4b:s30+s2] =	stream.linear.scatter [tilespmem:s29], [sflag:$0x1], $0x80, $0x38;
	[tilespmem:$0x10400] =	vst v63  }
0x104: {  	vm13 =	veq.f32 v2, v3;
	s31 =	sadd.s32 $0x7B0, s14;
	s15 =	sor.u32 $0x1C00, s15;
	s16 =	spop (v2sf)  }
0x105: {  	v2 =	vmctz.xlane vm13;
	[hbm4b:s31+s2] =	stream.linear.scatter [tilespmem:s15], [sflag:$0x1], $0x80, $0x38;
	[tilespmem:$0x10400] =	vst v63  }
0x106: {  	s17 =	sshll.u32 s16, $0xA;
	s15 =	sshll.u32 s16, $0x7  }
0x107: {  	(v2sf) =	vpush v2, $0xD;
	s16 =	sand.u32 $0xFFFFE000, s17;
	s15 =	sand.u32 $0x380, s15  }
0x108: {  	s18 =	sadd.s32 $0x440, s14;
	s15 =	sor.u32 s15, s16  }
0x109: {  	[hbm4b:s18+s2] =	stream.linear.scatter [tilespmem:s15], [sflag:$0x1], $0x80, $0x38;
	[tilespmem:$0x10400] =	vst v63  }
0x10a: {  	s19 =	sadd.s32 $0x4C0, s14;
	s16 =	sor.u32 $0x400, s15  }
0x10b: {  	[hbm4b:s19+s2] =	stream.linear.scatter [tilespmem:s16], [sflag:$0x1], $0x80, $0x38;
	[tilespmem:$0x10400] =	vst v63  }
0x10c: {  	(xrf0) =	vmax.scan.msk.f32 $0xffff, v48;
	s21 =	sadd.s32 $0x540, s14;
	s20 =	sor.u32 $0x800, s15  }
0x10d: {  	[hbm4b:s21+s2] =	stream.linear.scatter [tilespmem:s20], [sflag:$0x1], $0x80, $0x38;
	[tilespmem:$0x10400] =	vst v63  }
0x10e: {  	s23 =	sadd.s32 $0x5C0, s14;
	s22 =	sor.u32 $0xC00, s15  }
0x10f: {  	[hbm4b:s23+s2] =	stream.linear.scatter [tilespmem:s22], [sflag:$0x1], $0x80, $0x38;
	[tilespmem:$0x10400] =	vst v63  }
0x110: {  	s25 =	sadd.s32 $0x640, s14;
	s24 =	sor.u32 $0x1000, s15  }
0x111: {  	[hbm4b:s25+s2] =	stream.linear.scatter [tilespmem:s24], [sflag:$0x1], $0x80, $0x38;
	[tilespmem:$0x10400] =	vst v63  }
0x112: {  	s28 =	sadd.s32 $0x6C0, s14;
	s26 =	sor.u32 $0x1400, s15  }
0x113: {  	v62, _, _ =	vpop (xrf0);
	[hbm4b:s28+s2] =	stream.linear.scatter [tilespmem:s26], [sflag:$0x1], $0x80, $0x38;
	[tilespmem:$0x10400] =	vst v63  }
0x114: {  	v2 =	vbroadcast v62, $0xF;
	s30 =	sadd.s32 $0x740, s14;
	s29 =	sor.u32 $0x1800, s15  }
0x115: {  	[hbm4b:s30+s2] =	stream.linear.scatter [tilespmem:s29], [sflag:$0x1], $0x80, $0x38;
	[tilespmem:$0x10400] =	vst v63  }
0x116: {  	vm14 =	veq.f32 v48, v2;
	s31 =	sadd.s32 $0x7C0, s14;
	s15 =	sor.u32 $0x1C00, s15;
	s16 =	spop (v2sf)  }
0x117: {  	v1 =	vmctz.xlane vm14;
	[hbm4b:s31+s2] =	stream.linear.scatter [tilespmem:s15], [sflag:$0x1], $0x80, $0x38;
	[tilespmem:$0x10400] =	vst v63  }
0x118: {  	s17 =	sshll.u32 s16, $0xA;
	s15 =	sshll.u32 s16, $0x7  }
0x119: {  	(v2sf) =	vpush v1, $0xE;
	s16 =	sand.u32 $0xFFFFE000, s17;
	s15 =	sand.u32 $0x380, s15  }
0x11a: {  	s18 =	sadd.s32 $0x450, s14;
	s15 =	sor.u32 s15, s16  }
0x11b: {  	[hbm4b:s18+s2] =	stream.linear.scatter [tilespmem:s15], [sflag:$0x1], $0x80, $0x38;
	[tilespmem:$0x10400] =	vst v63  }
0x11c: {  	s19 =	sadd.s32 $0x4D0, s14;
	s16 =	sor.u32 $0x400, s15  }
0x11d: {  	[hbm4b:s19+s2] =	stream.linear.scatter [tilespmem:s16], [sflag:$0x1], $0x80, $0x38;
	[tilespmem:$0x10400] =	vst v63  }
0x11e: {  	(xrf0) =	vmax.scan.msk.f32 $0xffff, v49;
	s21 =	sadd.s32 $0x550, s14;
	s20 =	sor.u32 $0x800, s15  }
0x11f: {  	[hbm4b:s21+s2] =	stream.linear.scatter [tilespmem:s20], [sflag:$0x1], $0x80, $0x38;
	[tilespmem:$0x10400] =	vst v63  }
0x120: {  	s23 =	sadd.s32 $0x5D0, s14;
	s22 =	sor.u32 $0xC00, s15  }
0x121: {  	[hbm4b:s23+s2] =	stream.linear.scatter [tilespmem:s22], [sflag:$0x1], $0x80, $0x38;
	[tilespmem:$0x10400] =	vst v63  }
0x122: {  	s25 =	sadd.s32 $0x650, s14;
	s24 =	sor.u32 $0x1000, s15  }
0x123: {  	[hbm4b:s25+s2] =	stream.linear.scatter [tilespmem:s24], [sflag:$0x1], $0x80, $0x38;
	[tilespmem:$0x10400] =	vst v63  }
0x124: {  	s28 =	sadd.s32 $0x6D0, s14;
	s26 =	sor.u32 $0x1400, s15  }
0x125: {  	v63, _, _ =	vpop (xrf0);
	[hbm4b:s28+s2] =	stream.linear.scatter [tilespmem:s26], [sflag:$0x1], $0x80, $0x38;
	[tilespmem:$0x10400] =	vst v63  }
0x126: {  	v1 =	vbroadcast v63, $0xF;
	s30 =	sadd.s32 $0x750, s14;
	s29 =	sor.u32 $0x1800, s15  }
0x127: {  	[hbm4b:s30+s2] =	stream.linear.scatter [tilespmem:s29], [sflag:$0x1], $0x80, $0x38;
	[tilespmem:$0x10400] =	vst v63  }
0x128: {  	vm15 =	veq.f32 v49, v1;
	s31 =	sadd.s32 $0x7D0, s14;
	s15 =	sor.u32 $0x1C00, s15;
	s16 =	spop (v2sf)  }
0x129: {  	v0 =	vmctz.xlane vm15;
	[hbm4b:s31+s2] =	stream.linear.scatter [tilespmem:s15], [sflag:$0x1], $0x80, $0x38;
	[tilespmem:$0x10400] =	vst v63  }
0x12a: {  	s17 =	sshll.u32 s16, $0xA;
	s15 =	sshll.u32 s16, $0x7  }
0x12b: {  	(v2sf) =	vpush v0, $0xF;
	s16 =	sand.u32 $0xFFFFE000, s17;
	s15 =	sand.u32 $0x380, s15  }
0x12c: {  	s18 =	sadd.s32 $0x460, s14;
	s15 =	sor.u32 s15, s16  }
0x12d: {  	[hbm4b:s18+s2] =	stream.linear.scatter [tilespmem:s15], [sflag:$0x1], $0x80, $0x38;
	[tilespmem:$0x10400] =	vst v63  }
0x12e: {  	s19 =	sadd.s32 $0x4E0, s14;
	s16 =	sor.u32 $0x400, s15  }
0x12f: {  	[hbm4b:s19+s2] =	stream.linear.scatter [tilespmem:s16], [sflag:$0x1], $0x80, $0x38;
	[tilespmem:$0x10400] =	vst v63  }
0x130: {  	s21 =	sadd.s32 $0x560, s14;
	s20 =	sor.u32 $0x800, s15  }
0x131: {  	[hbm4b:s21+s2] =	stream.linear.scatter [tilespmem:s20], [sflag:$0x1], $0x80, $0x38;
	[tilespmem:$0x10400] =	vst v63  }
0x132: {  	s23 =	sadd.s32 $0x5E0, s14;
	s22 =	sor.u32 $0xC00, s15  }
0x133: {  	[hbm4b:s23+s2] =	stream.linear.scatter [tilespmem:s22], [sflag:$0x1], $0x80, $0x38;
	[tilespmem:$0x10400] =	vst v63  }
0x134: {  	s25 =	sadd.s32 $0x660, s14;
	s24 =	sor.u32 $0x1000, s15  }
0x135: {  	[hbm4b:s25+s2] =	stream.linear.scatter [tilespmem:s24], [sflag:$0x1], $0x80, $0x38;
	[tilespmem:$0x10400] =	vst v63  }
0x136: {  	s28 =	sadd.s32 $0x6E0, s14;
	s26 =	sor.u32 $0x1400, s15  }
0x137: {  	[hbm4b:s28+s2] =	stream.linear.scatter [tilespmem:s26], [sflag:$0x1], $0x80, $0x38;
	[tilespmem:$0x10400] =	vst v63  }
0x138: {  	s30 =	sadd.s32 $0x760, s14;
	s29 =	sor.u32 $0x1800, s15  }
0x139: {  	[hbm4b:s30+s2] =	stream.linear.scatter [tilespmem:s29], [sflag:$0x1], $0x80, $0x38;
	[tilespmem:$0x10400] =	vst v63  }
0x13a: {  	s31 =	sadd.s32 $0x7E0, s14;
	s15 =	sor.u32 $0x1C00, s15;
	s16 =	spop (v2sf)  }
0x13b: {  	[hbm4b:s31+s2] =	stream.linear.scatter [tilespmem:s15], [sflag:$0x1], $0x80, $0x38;
	[tilespmem:$0x10400] =	vst v63  }
0x13c: {  	s17 =	sshll.u32 s16, $0xA;
	s15 =	sshll.u32 s16, $0x7  }
0x13d: {  	s16 =	sand.u32 $0xFFFFE000, s17;
	s15 =	sand.u32 $0x380, s15  }
0x13e: {  	s18 =	sadd.s32 $0x470, s14;
	s15 =	sor.u32 s15, s16  }
0x13f: {  	[hbm4b:s18+s2] =	stream.linear.scatter [tilespmem:s15], [sflag:$0x1], $0x80, $0x38;
	[tilespmem:$0x10400] =	vst v63  }
0x140: {  	s19 =	sadd.s32 $0x4F0, s14;
	s16 =	sor.u32 $0x400, s15  }
0x141: {  	[hbm4b:s19+s2] =	stream.linear.scatter [tilespmem:s16], [sflag:$0x1], $0x80, $0x38;
	[tilespmem:$0x10400] =	vst v63  }
0x142: {  	s21 =	sadd.s32 $0x570, s14;
	s20 =	sor.u32 $0x800, s15  }
0x143: {  	[hbm4b:s21+s2] =	stream.linear.scatter [tilespmem:s20], [sflag:$0x1], $0x80, $0x38;
	[tilespmem:$0x10400] =	vst v63  }
0x144: {  	s23 =	sadd.s32 $0x5F0, s14;
	s22 =	sor.u32 $0xC00, s15  }
0x145: {  	[hbm4b:s23+s2] =	stream.linear.scatter [tilespmem:s22], [sflag:$0x1], $0x80, $0x38;
	[tilespmem:$0x10400] =	vst v63  }
0x146: {  	s25 =	sadd.s32 $0x670, s14;
	s24 =	sor.u32 $0x1000, s15  }
0x147: {  	[hbm4b:s25+s2] =	stream.linear.scatter [tilespmem:s24], [sflag:$0x1], $0x80, $0x38;
	[tilespmem:$0x10400] =	vst v63  }
0x148: {  	s28 =	sadd.s32 $0x6F0, s14;
	s26 =	sor.u32 $0x1400, s15  }
0x149: {  	[hbm4b:s28+s2] =	stream.linear.scatter [tilespmem:s26], [sflag:$0x1], $0x80, $0x38;
	[tilespmem:$0x10400] =	vst v63  }
0x14a: {  	s30 =	sadd.s32 $0x770, s14;
	s29 =	sor.u32 $0x1800, s15  }
0x14b: {  	[hbm4b:s30+s2] =	stream.linear.scatter [tilespmem:s29], [sflag:$0x1], $0x80, $0x38;
	[tilespmem:$0x10400] =	vst v63  }
0x14c: {  	p1 =	slt.u32 s13, $0x8;
	s14 =	sadd.s32 $0x7F0, s14;
	s15 =	sor.u32 $0x1C00, s15  }
0x14d: {  	[hbm4b:s14+s2] =	stream.linear.scatter [tilespmem:s15], [sflag:$0x1], $0x80, $0x38;
	[tilespmem:$0x10400] =	vst v63  }
0x14e: {  	s14 =	simm.s32 @!p1 $0x1  }
0x14f: {  	_ =	swait.ge @!p1 [sflag:s14], $0x400  }
0x150: {  	[sflag:s14] =	ssyncset.done @!p1 $0x0  }
0x151: {  	[sflag:s14] =	ssyncadd.s32 @!p1 $0xFFFFFC00  }
0x152: {  	_ =	swait.ge @!p1 [sflag:s14], $0x400  }
0x153: {  	[sflag:s14] =	ssyncset.done @!p1 $0x0  }
0x154: {  	[sflag:s14] =	ssyncadd.s32 @!p1 $0xFFFFFC00  }
0x155: {  	_ =	swait.ge @!p1 [sflag:s14], $0x400  }
0x156: {  	[sflag:s14] =	ssyncset.done @!p1 $0x0  }
0x157: {  	[sflag:s14] =	ssyncadd.s32 @!p1 $0xFFFFFC00  }
0x158: {  	_ =	swait.ge @!p1 [sflag:s14], $0x400  }
0x159: {  	[sflag:s14] =	ssyncset.done @!p1 $0x0  }
0x15a: {  	[sflag:s14] =	ssyncadd.s32 @!p1 $0xFFFFFC00  }
0x15b: {  	_ =	swait.ge @!p1 [sflag:s14], $0x400  }
0x15c: {  	[sflag:s14] =	ssyncset.done @!p1 $0x0  }
0x15d: {  	[sflag:s14] =	ssyncadd.s32 @!p1 $0xFFFFFC00  }
0x15e: {  	_ =	swait.ge @!p1 [sflag:s14], $0x400  }
0x15f: {  	[sflag:s14] =	ssyncset.done @!p1 $0x0  }
0x160: {  	[sflag:s14] =	ssyncadd.s32 @!p1 $0xFFFFFC00  }
0x161: {  	_ =	swait.ge @!p1 [sflag:s14], $0x400  }
0x162: {  	[sflag:s14] =	ssyncset.done @!p1 $0x0  }
0x163: {  	[sflag:s14] =	ssyncadd.s32 @!p1 $0xFFFFFC00  }
0x164: {  	_ =	swait.ge @!p1 [sflag:s14], $0x400  }
0x165: {  	[sflag:s14] =	ssyncset.done @!p1 $0x0  }
0x166: {  	[sflag:s14] =	ssyncadd.s32 @!p1 $0xFFFFFC00  }
0x167: {  	_ =	swait.ge @!p1 [sflag:s14], $0x400  }
0x168: {  	[sflag:s14] =	ssyncset.done @!p1 $0x0  }
0x169: {  	[sflag:s14] =	ssyncadd.s32 @!p1 $0xFFFFFC00  }
0x16a: {  	_ =	swait.ge @!p1 [sflag:s14], $0x400  }
0x16b: {  	[sflag:s14] =	ssyncset.done @!p1 $0x0  }
0x16c: {  	[sflag:s14] =	ssyncadd.s32 @!p1 $0xFFFFFC00  }
0x16d: {  	_ =	swait.ge @!p1 [sflag:s14], $0x400  }
0x16e: {  	[sflag:s14] =	ssyncset.done @!p1 $0x0  }
0x16f: {  	[sflag:s14] =	ssyncadd.s32 @!p1 $0xFFFFFC00  }
0x170: {  	_ =	swait.ge @!p1 [sflag:s14], $0x400  }
0x171: {  	[sflag:s14] =	ssyncset.done @!p1 $0x0  }
0x172: {  	[sflag:s14] =	ssyncadd.s32 @!p1 $0xFFFFFC00  }
0x173: {  	_ =	swait.ge @!p1 [sflag:s14], $0x400  }
0x174: {  	[sflag:s14] =	ssyncset.done @!p1 $0x0  }
0x175: {  	[sflag:s14] =	ssyncadd.s32 @!p1 $0xFFFFFC00  }
0x176: {  	_ =	swait.ge @!p1 [sflag:s14], $0x400  }
0x177: {  	[sflag:s14] =	ssyncset.done @!p1 $0x0  }
0x178: {  	[sflag:s14] =	ssyncadd.s32 @!p1 $0xFFFFFC00  }
0x179: {  	_ =	swait.ge @!p1 [sflag:s14], $0x400  }
0x17a: {  	[sflag:s14] =	ssyncset.done @!p1 $0x0  }
0x17b: {  	[sflag:s14] =	ssyncadd.s32 @!p1 $0xFFFFFC00  }
0x17c: {  	_ =	swait.ge @!p1 [sflag:s14], $0x400  }
0x17d: {  	s12 =	sadd.s32 $0x800, s12;
	s31 =	rddreg [dreg:$0x4]  }
0x17e: {  	p2 =	sne.s32 s31, s12  }
.Ltmp0:
0x17f: {  	_ = 	snop;
	(pc) =	sbr.rel @p2 .LBB2_2-.Ltmp0, $3  }
0x180: {  	_ =	sdelay $0x1  }
0x181: {  	[sflag:s14] =	ssyncset.done @!p1 $0x0  }
0x182: {  	s13 =	sadd.s32 $0x1, s13;
	s11 =	sadd.s32 $0x100, s11;
	[sflag:s14] =	ssyncadd.s32 @!p1 $0xFFFFFC00  }
0x183: {  	_ =	swait.ge [sflag:s9], $0x400  }
0x184: {  	s11 =	simm.s32 $0x7F;
	[sflag:s9] =	ssyncset.done $0x0  }
.LBB2_4:
0x185: {  	p1 =	sne.s32 s11, $0x1;
	s11 =	sadd.s32 $0xFFFFFFFF, s11;
	[sflag:s9] =	ssyncadd.s32 $0xFFFFFC00  }
.Ltmp1:
0x186: {  	(pc) =	sbr.rel @p1 .LBB2_4-.Ltmp1, $3  }
0x187: {  	_ =	sdelay $0x1  }
0x188: {  	_ =	swait.ge [sflag:s9], $0x400  }
0x189: {  	[sflag:s9] =	ssyncset.done $0x0  }
0x18a: {  	s10 =	sadd.s32 $0x1, s10  }
0x18b: {  	p1 =	sne.s32 s10, s6  }
.Ltmp2:
0x18c: {  	_ = 	snop;
	(pc) =	sbr.rel @p1 .LBB2_1-.Ltmp2, $2  }
0x18d: {  	_ =	sdelay $0x2  }
0x18e: {  	[sflag:s9] =	ssyncadd.s32 $0xFFFFFC00  }
0x18f: {  	_ =	sfence.sel $0x180000  }
0x190: {  	[bflag:$0x0] =	sbarrier.arrive $0xFFFF  }
0x191: {  	p0 =	sne.s32 s0, $0x0;
	_ =	strace $0x90000047  }
0x192: {  	s0 =	sadd.s32 @!p0 $0x100000, s1;
	[bflag:$0x2] =	sbarrier.arrive $0xFFFF  }
0x193: {  	[sflag:s0] =	ssyncadd.tile.s32 @!p0 $0x1;
	_ =	shalt  }
.Lfunc_end2:
_tile_overlayer_lowered:
.L_overlay_start_2:
0x194: {  	(tag) =	ssettag $0x2  }
0x195: {  	s0 =	rddreg [dreg:$0x0];
	s2 =	stileid.u32  }
0x196: {  	s1 =	rddreg [dreg:$0x1];
	p0 =	sne.s32 s2, $0x0  }
0x197: {  	s3 =	rddreg [dreg:$0x2];
	[bflag:$0x3] =	sbarrier.arrive $0xFFFF;
	s2 =	simm.s32 @!p0 $0x1C02  }
0x198: {  	[timem:s3], [sflag:s2] =	dma.local @!p0 [hbm:s0], s1  }
0x199: {  	s0 =	simm.s32 @!p0 $0x2  }
0x19a: {  	_ =	swait.ge @!p0 [sflag:s0], s1  }
0x19b: {  	s1 =	ssub.s32 @!p0 $0x0, s1;
	[sflag:s0] =	ssyncset.done @!p0 $0x0  }
0x19c: {  	[sflag:s0] =	ssyncadd.s32 @!p0 s1  }
0x19d: {  	[bflag:$0x3] =	sbarrier.arrive $0xFFFF  }
0x19e: {  	_ =	shalt  }

</sc_bundles>
